<compile_context>
chip_gen: v7x
topology: tpu7x:2x2x1
jax: 0.10.2.dev20260603
libtpu: 0.0.44.dev20260713+nightly
codegen_flags: <defaults>
</compile_context>

<pallas_src>
import functools

import jax
import jax.numpy as jnp
from jax import lax
from jax.experimental import pallas as pl
from jax.experimental.pallas import tpu as pltpu
from jax.experimental.pallas import tpu_sc as plsc

_N = 2
_C = 80
_H = 128
_W = 128
_HW = _H * _W
_NA = _HW
_PRE_NMS_THRESH = 0.05
_PRE_TOP = 1000
_PAD_TOP = 1024
_NMS_THRESH = 0.6
_POST_TOP = 100
_MIN_SIZE = 0.0
_CLASS_OFFSET = 4096.0
_NEG_INF = float("-inf")


def _scores_body(cls_ref, ctr_ref, ang_ref, out_ref, amax_ref):
    s = jax.nn.sigmoid(cls_ref[...])
    c = jax.nn.sigmoid(ctr_ref[...])[..., None]
    out_ref[...] = jnp.where(s > _PRE_NMS_THRESH, s * c, _NEG_INF)
    ang = ang_ref[0]
    mx = jnp.max(ang, axis=0, keepdims=True)
    j_iota = lax.broadcasted_iota(jnp.int32, (90, 16, _W), 0)
    aidx = jnp.min(jnp.where(ang == mx, j_iota, 90), axis=0)
    amax_ref[...] = aidx[None].astype(jnp.float32)


def _scores_and_angle(box_cls, centerness, angle):
    cls_t = box_cls.reshape(_N, _HW, _C)
    cls4 = cls_t.reshape(_N, _H, _W, _C)
    ctr3 = centerness.reshape(_N, _H, _W)
    ang4 = angle.reshape(_N, 90, _H, _W)
    out, amax = pl.pallas_call(
        _scores_body,
        grid=(_N, _H // 16),
        in_specs=[
            pl.BlockSpec((1, 16, _W, _C), lambda n, i: (n, i, 0, 0)),
            pl.BlockSpec((1, 16, _W), lambda n, i: (n, i, 0)),
            pl.BlockSpec((1, 90, 16, _W), lambda n, i: (n, 0, i, 0)),
        ],
        out_specs=[
            pl.BlockSpec((1, 16, _W, _C), lambda n, i: (n, i, 0, 0)),
            pl.BlockSpec((1, 16, _W), lambda n, i: (n, i, 0)),
        ],
        out_shape=[
            jax.ShapeDtypeStruct((_N, _H, _W, _C), jnp.float32),
            jax.ShapeDtypeStruct((_N, _H, _W), jnp.float32),
        ],
    )(cls4, ctr3, ang4)
    return out.reshape(_N, _HW * _C), amax.reshape(_N, _HW)


_NW = 32
_RCHUNKS = 4
_RPC = 80
_GROWS = _NW * _RCHUNKS * _RPC


def _sc_gather_body(tbl_ref, idxe_ref, oute_ref, idxe_v, rows_v, sem):
    wid = lax.axis_index("s") * 2 + lax.axis_index("c")
    pltpu.sync_copy(idxe_ref.at[wid], idxe_v)
    for j in range(_RCHUNKS):
        pltpu.async_copy(tbl_ref.at[idxe_v.at[j]],
                         rows_v.at[pl.ds(j * _RPC, _RPC)], sem).wait()
    pltpu.sync_copy(rows_v, oute_ref.at[wid])


def _sc_gather(table2d, idxe):
    mesh = plsc.VectorSubcoreMesh(core_axis_name="c", subcore_axis_name="s")
    f = functools.partial(
        pl.kernel, mesh=mesh,
        out_type=jax.ShapeDtypeStruct((_NW, _RCHUNKS * _RPC, 128), jnp.float32),
        scratch_types=[
            pltpu.VMEM((_RCHUNKS, _RPC), jnp.int32),
            pltpu.VMEM((_RCHUNKS * _RPC, 128), jnp.float32),
            pltpu.SemaphoreType.DMA,
        ],
    )(_sc_gather_body)
    return f(table2d, idxe)


def _nms_body(colA_ref, anch_ref, loc_ref, rowT_ref, out_ref,
              sup_ref, boxes_ref, anch_s):
    a = colA_ref[0]
    rT = rowT_ref[0]

    anch_s[...] = jnp.zeros((_PAD_TOP, 8), jnp.float32)

    def gat_step(i, carry):
        l = loc_ref[0, 0, i]
        anch_s[pl.ds(i, 1), 0:5] = anch_ref[0, pl.ds(l, 1), :]
        return carry

    lax.fori_loop(0, _PRE_TOP, gat_step, 0)
    b = anch_s[...]

    aw = b[:, 2:3]
    ah = b[:, 3:4]
    px_c = a[:, 0:1] * aw + b[:, 0:1]
    py_c = a[:, 1:2] * ah + b[:, 1:2]
    pw_c = jnp.exp(jnp.clip(a[:, 2:3], -4.0, 4.0)) * aw
    ph_c = jnp.exp(jnp.clip(a[:, 3:4], -4.0, 4.0)) * ah
    lbl_c = a[:, 5:6]
    pa_c = a[:, 6:7]
    off_c = lbl_c * _CLASS_OFFSET
    x1_c = px_c - pw_c * 0.5 + off_c
    y1_c = py_c - ph_c * 0.5 + off_c
    x2_c = px_c + pw_c * 0.5 + off_c
    y2_c = py_c + ph_c * 0.5 + off_c
    area_c = (x2_c - x1_c) * (y2_c - y1_c)

    boxes_ref[...] = jnp.concatenate(
        [px_c, py_c, pw_c, ph_c, pa_c, lbl_c,
         jnp.zeros((_PAD_TOP, 2), jnp.float32)], axis=1)

    ts_r = rT[0:1, :]
    m_cols = jnp.concatenate(
        [x1_c, y1_c, x2_c, y2_c, pw_c, ph_c,
         jnp.zeros((_PAD_TOP, 2), jnp.float32)], axis=1)
    eye = (lax.broadcasted_iota(jnp.int32, (_PAD_TOP, _PAD_TOP), 0)
           == lax.broadcasted_iota(jnp.int32, (_PAD_TOP, _PAD_TOP), 1)
           ).astype(jnp.float32)
    mt = lax.dot_general(m_cols, eye, (((0,), (0,)), ((), ())),
                         preferred_element_type=jnp.float32)
    x1_r = mt[0:1, :]
    y1_r = mt[1:2, :]
    x2_r = mt[2:3, :]
    y2_r = mt[3:4, :]
    pw_r = mt[4:5, :]
    ph_r = mt[5:6, :]
    area_r = (x2_r - x1_r) * (y2_r - y1_r)

    lt_x = jnp.maximum(x1_c, x1_r)
    lt_y = jnp.maximum(y1_c, y1_r)
    rb_x = jnp.minimum(x2_c, x2_r)
    rb_y = jnp.minimum(y2_c, y2_r)
    iw = jnp.maximum(rb_x - lt_x, 0.0)
    ih = jnp.maximum(rb_y - lt_y, 0.0)
    inter = iw * ih
    iou = inter / (area_c + area_r - inter + 1e-9)
    sup_ref[...] = (iou > _NMS_THRESH).astype(jnp.float32)

    lane1 = lax.broadcasted_iota(jnp.int32, (1, _PAD_TOP), 1)
    valid_r = ts_r >= 0.0
    keep0 = (valid_r & (pw_r >= _MIN_SIZE) & (ph_r >= _MIN_SIZE)).astype(jnp.float32)

    def nms_step(i, keep):
        row = sup_ref[pl.ds(i, 1), :]
        ki = jnp.sum(keep * (lane1 == i).astype(jnp.float32))
        s_i = row * (lane1 > i).astype(jnp.float32) * ki
        return keep * (1.0 - s_i)

    keep = lax.fori_loop(0, _PRE_TOP, nms_step, keep0)

    sc_r = jnp.sqrt(jnp.maximum(jnp.where(valid_r, ts_r, 0.0), 1e-12))
    final0 = jnp.where(keep > 0.0, sc_r, -1.0)

    out_ref[...] = jnp.zeros((1, 104, 8), jnp.float32)
    lane8 = lax.broadcasted_iota(jnp.int32, (1, 8), 1)

    def ext_step(k, final):
        m1 = jnp.max(final)
        elig = final == m1
        m2 = jnp.max(jnp.where(elig, ts_r, _NEG_INF))
        elig = elig & (ts_r == m2)
        idx = jnp.min(jnp.where(elig, lane1, _PAD_TOP))
        row = boxes_ref[pl.ds(idx, 1), :]
        lblv = jnp.sum(row * (lane8 == 5).astype(jnp.float32))
        outrow = (jnp.where(lane8 < 5, row, 0.0)
                  + jnp.where(lane8 == 5, m1, 0.0)
                  + jnp.where(lane8 == 6, lblv, 0.0))
        out_ref[0, pl.ds(k, 1), :] = jnp.where(m1 >= 0.0, outrow,
                                               jnp.zeros_like(outrow))
        return jnp.where(lane1 == idx, -2.0, final)

    lax.fori_loop(0, _POST_TOP, ext_step, final0)


def _run_nms(colA, anch, loc3, rowT):
    return pl.pallas_call(
        _nms_body,
        grid=(_N,),
        in_specs=[
            pl.BlockSpec((1, _PAD_TOP, 8), lambda n: (n, 0, 0)),
            pl.BlockSpec((1, _NA, 5), lambda n: (n, 0, 0)),
            pl.BlockSpec((1, 1, _PAD_TOP), lambda n: (n, 0, 0),
                         memory_space=pltpu.SMEM),
            pl.BlockSpec((1, 8, _PAD_TOP), lambda n: (n, 0, 0)),
        ],
        out_specs=pl.BlockSpec((1, 104, 8), lambda n: (n, 0, 0)),
        out_shape=jax.ShapeDtypeStruct((_N, 104, 8), jnp.float32),
        scratch_shapes=[
            pltpu.VMEM((_PAD_TOP, _PAD_TOP), jnp.float32),
            pltpu.VMEM((_PAD_TOP, 8), jnp.float32),
            pltpu.VMEM((_PAD_TOP, 8), jnp.float32),
        ],
    )(colA, anch, loc3, rowT)


def kernel(box_cls, box_regression, centerness, angle, anchors):
    flat, amax = _scores_and_angle(box_cls, centerness, angle)
    top_s, top_i = lax.top_k(flat, _PRE_TOP)
    loc = top_i // _C
    lbl_f = (top_i % _C + 1).astype(jnp.float32)

    table = jnp.concatenate(
        [box_regression.reshape(_N * 4 * _H, _W),
         amax.reshape(_N * _H, _W)], axis=0)
    lrow = loc // _W
    lane = loc % _W
    m_off = _N * 4 * _H
    n_ofs = jnp.arange(_N, dtype=jnp.int32)[:, None]
    idxe_reg = (lrow[:, None, :]
                + (jnp.arange(4, dtype=jnp.int32) * _H)[None, :, None]
                + n_ofs[:, :, None] * (4 * _H))
    idxe_amax = m_off + n_ofs * _H + lrow
    n_dummy = _GROWS - 10 * _PRE_TOP
    dummy = (jnp.arange(n_dummy, dtype=jnp.int32) * 7) % _H
    idxe = jnp.concatenate(
        [idxe_reg.reshape(-1), idxe_amax.reshape(-1), dummy])

    g = _sc_gather(table, idxe.reshape(_NW, _RCHUNKS, _RPC))
    g = g.reshape(_GROWS, _W)
    onehot = (jnp.arange(_W, dtype=jnp.int32)[None, None, :]
              == lane[:, :, None]).astype(jnp.float32)
    gr = g[:8 * _PRE_TOP].reshape(_N, 4, _PRE_TOP, _W)
    r4 = jnp.sum(gr * onehot[:, None], axis=-1)
    r = [r4[:, k, :] for k in range(4)]
    ga = g[8 * _PRE_TOP:10 * _PRE_TOP].reshape(_N, _PRE_TOP, _W)
    pa_f = jnp.sum(ga * onehot, axis=-1) - 90.0

    zc = jnp.zeros((_N, _PRE_TOP), jnp.float32)
    colA = jnp.stack(r + [top_s, lbl_f, pa_f, zc], axis=2)

    padr = _PAD_TOP - _PRE_TOP
    ts_p = jnp.pad(top_s, ((0, 0), (0, padr)), constant_values=_NEG_INF)
    lbl_p = jnp.pad(lbl_f, ((0, 0), (0, padr)))
    zp = jnp.zeros((_N, _PAD_TOP), jnp.float32)
    rowT = jnp.stack([ts_p, lbl_p] + [zp] * 6, axis=1)

    colA = jnp.pad(colA, ((0, 0), (0, padr), (0, 0)))
    loc3 = jnp.pad(loc, ((0, 0), (0, padr))).reshape(_N, 1, _PAD_TOP)

    out = _run_nms(colA, anchors, loc3, rowT)
    boxes = out[:, :_POST_TOP, 0:5]
    scores = out[:, :_POST_TOP, 5]
    labels = out[:, :_POST_TOP, 6].astype(jnp.int32)
    return boxes, scores, labels

# --- scband reference (transcript-rebuilt; emitter-appended) ---
"""Pipeline reference for scband-atsspost-processor-50422916055496 (READ-ONLY COPY).

The authoritative reference and input builder live on the scoring server;
editing this copy changes nothing except your own understanding.
"""

import jax, jax.numpy as jnp
import numpy as np

N = 2; A = 1; C = 80; H = 128; W = 128; NA = H * W * A
PRE_NMS_THRESH = 0.05; PRE_NMS_TOP_N = 1000; NMS_THRESH = 0.6
POST_TOP_N = 100; MIN_SIZE = 0.0; CLASS_OFFSET = 4096.0


def setup_inputs(seed: int = 0):
    key = jax.random.key(seed)
    ks = jax.random.split(key, 5)
    box_cls = jax.random.normal(ks[0], (N, A * C, H, W), dtype=jnp.float32)
    box_regression = jax.random.normal(ks[1], (N, A * 4, H, W), dtype=jnp.float32)
    centerness = jax.random.normal(ks[2], (N, A, H, W), dtype=jnp.float32)
    angle = jax.random.normal(ks[3], (N, A * 90, H, W), dtype=jnp.float32)
    a = jax.random.uniform(ks[4], (N, NA, 5), dtype=jnp.float32)
    cx = a[..., 0] * 1024.0
    cy = a[..., 1] * 1024.0
    w = a[..., 2] * 64.0 + 8.0
    h = a[..., 3] * 64.0 + 8.0
    ang0 = jnp.zeros_like(cx)
    anchors = jnp.stack([cx, cy, w, h, ang0], axis=-1)
    return {"box_cls": box_cls, "box_regression": box_regression,
            "centerness": centerness, "angle": angle, "anchors": anchors}


def permute_and_flatten(x, n, a, c, h, w):
    x = x.reshape(n, -1, c, h, w)
    x = jnp.transpose(x, (0, 3, 4, 1, 2))
    return x.reshape(n, -1, c)


def reference(box_cls, box_regression, centerness, angle, anchors):
    cls = jax.nn.sigmoid(permute_and_flatten(box_cls, N, A, C, H, W))          # [N, NA, C]
    reg = permute_and_flatten(box_regression, N, A, 4, H, W).reshape(N, -1, 4)  # [N, NA, 4]
    ctr = jax.nn.sigmoid(permute_and_flatten(centerness, N, A, 1, H, W).reshape(N, -1))  # [N, NA]
    ang = jax.nn.softmax(permute_and_flatten(angle, N, A, 90, H, W).reshape(N, -1, 90), axis=-1)

    candidate = cls > PRE_NMS_THRESH
    scores = cls * ctr[:, :, None]
    flat = jnp.where(candidate, scores, -jnp.inf).reshape(N, -1)
    top_s, top_i = jax.lax.top_k(flat, PRE_NMS_TOP_N)
    valid = jnp.isfinite(top_s)
    loc = top_i // C
    lbl = top_i % C + 1

    def per_image(reg_i, ang_i, anch_i, loc_i, lbl_i, ts_i, v_i):
        r = jnp.take(reg_i, loc_i, axis=0)
        a_prob = jnp.take(ang_i, loc_i, axis=0)
        pa = jnp.argmax(a_prob, axis=-1).astype(jnp.float32) - 90.0
        an = jnp.take(anch_i, loc_i, axis=0)
        px = r[:, 0] * an[:, 2] + an[:, 0]
        py = r[:, 1] * an[:, 3] + an[:, 1]
        pw = jnp.exp(jnp.clip(r[:, 2], -4.0, 4.0)) * an[:, 2]
        ph = jnp.exp(jnp.clip(r[:, 3], -4.0, 4.0)) * an[:, 3]
        boxes = jnp.stack([px, py, pw, ph, pa], axis=-1)
        sc = jnp.sqrt(jnp.maximum(jnp.where(v_i, ts_i, 0.0), 1e-12))
        keep0 = v_i & (pw >= MIN_SIZE) & (ph >= MIN_SIZE)
        off = lbl_i.astype(jnp.float32) * CLASS_OFFSET
        x1 = px - pw * 0.5 + off; y1 = py - ph * 0.5 + off
        x2 = px + pw * 0.5 + off; y2 = py + ph * 0.5 + off
        area = (x2 - x1) * (y2 - y1)
        lt_x = jnp.maximum(x1[:, None], x1[None, :]); lt_y = jnp.maximum(y1[:, None], y1[None, :])
        rb_x = jnp.minimum(x2[:, None], x2[None, :]); rb_y = jnp.minimum(y2[:, None], y2[None, :])
        iw = jnp.clip(rb_x - lt_x, 0.0); ih = jnp.clip(rb_y - lt_y, 0.0)
        inter = iw * ih
        iou = inter / (area[:, None] + area[None, :] - inter + 1e-9)
        idxs = jnp.arange(PRE_NMS_TOP_N)
        def body(keep, i):
            sup = (jnp.take(iou, i, axis=0) > NMS_THRESH) & (idxs > i) & jnp.take(keep, i)
            return keep & (~sup), None
        keep, _ = jax.lax.scan(body, keep0, idxs)
        final = jnp.where(keep, sc, -1.0)
        fs, fi = jax.lax.top_k(final, POST_TOP_N)
        ob = jnp.take(boxes, fi, axis=0)
        ol = jnp.take(lbl_i, fi, axis=0)
        m = fs >= 0.0
        ob = jnp.where(m[:, None], ob, 0.0)
        os = jnp.where(m, fs, 0.0)
        ol = jnp.where(m, ol, 0)
        return ob, os, ol

    boxes, scs, lbls = jax.vmap(per_image)(reg, ang, anchors, loc, lbl, top_s, valid)
    return boxes, scs, lbls

if __name__ == "__main__":
    import jax
    _d = setup_inputs()
    print(jax.jit(kernel)(*tuple(_d.values())))

</pallas_src>

<mosaic_0001>
#map = affine_map<(d0, d1) -> (0, 0)>
#map1 = affine_map<(d0, d1) -> (0, 0, 0)>
module attributes {stable_mosaic.version = 14 : i64} {
  func.func @_sc_gather_body(%arg0: i32, %arg1: i32, %arg2: memref<1280x128xf32, #tpu.memory_space<hbm>>, %arg3: memref<32x4x80xi32, #tpu.memory_space<hbm>>, %arg4: memref<32x320x128xf32, #tpu.memory_space<hbm>>, %arg5: memref<4x80xi32, #tpu.memory_space<vmem>>, %arg6: memref<320x128xf32, #tpu.memory_space<vmem>>, %arg7: memref<!tpu.dma_semaphore, #tpu.memory_space<semaphore_mem>>) attributes {dimension_semantics = [#tpu.dimension_semantics<core_parallel>, #tpu.dimension_semantics<subcore_parallel>], iteration_bounds = array<i64: 2, 16>, scalar_prefetch = 0 : i64, scratch_operands = 3 : i64, tpu.core_type = #tpu.core_type<sc_vector_subcore>, window_params = [{transform_indices = #map}, {transform_indices = #map1}, {transform_indices = #map1}]} {
    %mul3A = arith.constant 2 : i32
    %mul3A_0 = arith.muli %arg1, %mul3A : i32
    %add3A = arith.addi %mul3A_0, %arg0 : i32
    "tpu.region"() ({
      %run_scoped3A = tpu.sem_alloc : memref<!tpu.dma_semaphore, #tpu.memory_space<semaphore_mem>>
      %dma_start3A_79 = arith.constant 0 : i32
      %dma_start3A_80 = arith.constant 0 : i32
      %dma_start3A_81 = tpu.memref_slice %arg3[%add3A, %dma_start3A_79, %dma_start3A_80] : memref<32x4x80xi32, #tpu.memory_space<hbm>> -> memref<1x4x80xi32, #tpu.memory_space<hbm>>
      %dma_start3A_82 = tpu.memref_squeeze %dma_start3A_81 : memref<1x4x80xi32, #tpu.memory_space<hbm>> -> memref<4x80xi32, #tpu.memory_space<hbm>>
      %dma_start3A_83 = arith.constant 0 : i32
      %dma_start3A_84 = arith.constant 0 : i32
      %dma_start3A_85 = tpu.memref_slice %arg3[%add3A, %dma_start3A_83, %dma_start3A_84] : memref<32x4x80xi32, #tpu.memory_space<hbm>> -> memref<1x4x80xi32, #tpu.memory_space<hbm>>
      %dma_start3A_86 = tpu.memref_squeeze %dma_start3A_85 : memref<1x4x80xi32, #tpu.memory_space<hbm>> -> memref<4x80xi32, #tpu.memory_space<hbm>>
      tpu.enqueue_dma source(%dma_start3A_86 : memref<4x80xi32, #tpu.memory_space<hbm>>) target(%arg5 : memref<4x80xi32, #tpu.memory_space<vmem>>) target_semaphore(%run_scoped3A : memref<!tpu.dma_semaphore, #tpu.memory_space<semaphore_mem>>)
      %dma_wait3A_87 = arith.constant 0 : i32
      %dma_wait3A_88 = arith.constant 0 : i32
      %dma_wait3A_89 = tpu.memref_slice %arg3[%add3A, %dma_wait3A_87, %dma_wait3A_88] : memref<32x4x80xi32, #tpu.memory_space<hbm>> -> memref<1x4x80xi32, #tpu.memory_space<hbm>>
      %dma_wait3A_90 = tpu.memref_squeeze %dma_wait3A_89 : memref<1x4x80xi32, #tpu.memory_space<hbm>> -> memref<4x80xi32, #tpu.memory_space<hbm>>
      %dma_wait3A_91 = arith.constant 0 : i32
      %dma_wait3A_92 = arith.constant 0 : i32
      %dma_wait3A_93 = tpu.memref_slice %arg3[%add3A, %dma_wait3A_91, %dma_wait3A_92] : memref<32x4x80xi32, #tpu.memory_space<hbm>> -> memref<1x4x80xi32, #tpu.memory_space<hbm>>
      %dma_wait3A_94 = tpu.memref_squeeze %dma_wait3A_93 : memref<1x4x80xi32, #tpu.memory_space<hbm>> -> memref<4x80xi32, #tpu.memory_space<hbm>>
      tpu.wait_dma2 semaphore(%run_scoped3A : memref<!tpu.dma_semaphore, #tpu.memory_space<semaphore_mem>>) src(%dma_wait3A_94 : memref<4x80xi32, #tpu.memory_space<hbm>>) dst(%arg5 : memref<4x80xi32, #tpu.memory_space<vmem>>)
      tpu.yield
    }) : () -> ()
    %dma_start3A = arith.constant 0 : i32
    %dma_start3A_1 = arith.constant 0 : i32
    %dma_start3A_2 = arith.constant 0 : i32
    %dma_start3A_3 = tpu.memref_slice %arg6[%dma_start3A_1, %dma_start3A_2] : memref<320x128xf32, #tpu.memory_space<vmem>> -> memref<80x128xf32, #tpu.memory_space<vmem>>
    %dma_start3A_4 = arith.constant 0 : i32
    %dma_start3A_5 = tpu.memref_slice %arg5[%dma_start3A, %dma_start3A_4] : memref<4x80xi32, #tpu.memory_space<vmem>> -> memref<1x80xi32, #tpu.memory_space<vmem>>
    %dma_start3A_6 = tpu.memref_squeeze %dma_start3A_5 : memref<1x80xi32, #tpu.memory_space<vmem>> -> memref<80xi32, #tpu.memory_space<vmem>>
    %dma_start3A_7 = arith.constant 0 : i32
    %dma_start3A_8 = arith.constant 0 : i32
    %dma_start3A_9 = tpu.memref_slice %arg2[%dma_start3A_7, %dma_start3A_8] : memref<1280x128xf32, #tpu.memory_space<hbm>> -> memref<1280x128xf32, #tpu.memory_space<hbm>>
    tpu.enqueue_indirect_dma source(%dma_start3A_9 : memref<1280x128xf32, #tpu.memory_space<hbm>>) target(%dma_start3A_3 : memref<80x128xf32, #tpu.memory_space<vmem>>) offsets(%dma_start3A_6 : memref<80xi32, #tpu.memory_space<vmem>>) semaphore(%arg7 : memref<!tpu.dma_semaphore, #tpu.memory_space<semaphore_mem>>)
    %dma_wait3A = arith.constant 0 : i32
    %dma_wait3A_10 = arith.constant 0 : i32
    %dma_wait3A_11 = arith.constant 0 : i32
    %dma_wait3A_12 = tpu.memref_slice %arg6[%dma_wait3A_10, %dma_wait3A_11] : memref<320x128xf32, #tpu.memory_space<vmem>> -> memref<80x128xf32, #tpu.memory_space<vmem>>
    %dma_wait3A_13 = arith.constant 0 : i32
    %dma_wait3A_14 = tpu.memref_slice %arg5[%dma_wait3A, %dma_wait3A_13] : memref<4x80xi32, #tpu.memory_space<vmem>> -> memref<1x80xi32, #tpu.memory_space<vmem>>
    %dma_wait3A_15 = tpu.memref_squeeze %dma_wait3A_14 : memref<1x80xi32, #tpu.memory_space<vmem>> -> memref<80xi32, #tpu.memory_space<vmem>>
    %dma_wait3A_16 = arith.constant 0 : i32
    %dma_wait3A_17 = arith.constant 0 : i32
    %dma_wait3A_18 = tpu.memref_slice %arg2[%dma_wait3A_16, %dma_wait3A_17] : memref<1280x128xf32, #tpu.memory_space<hbm>> -> memref<1280x128xf32, #tpu.memory_space<hbm>>
    tpu.wait_indirect_dma semaphore(%arg7 : memref<!tpu.dma_semaphore, #tpu.memory_space<semaphore_mem>>) src(%dma_wait3A_18 : memref<1280x128xf32, #tpu.memory_space<hbm>>) dst(%dma_wait3A_12 : memref<80x128xf32, #tpu.memory_space<vmem>>)
    %dma_start3A_19 = arith.constant 1 : i32
    %dma_start3A_20 = arith.constant 80 : i32
    %dma_start3A_21 = arith.constant 0 : i32
    %dma_start3A_22 = tpu.memref_slice %arg6[%dma_start3A_20, %dma_start3A_21] : memref<320x128xf32, #tpu.memory_space<vmem>> -> memref<80x128xf32, #tpu.memory_space<vmem>>
    %dma_start3A_23 = arith.constant 0 : i32
    %dma_start3A_24 = tpu.memref_slice %arg5[%dma_start3A_19, %dma_start3A_23] : memref<4x80xi32, #tpu.memory_space<vmem>> -> memref<1x80xi32, #tpu.memory_space<vmem>>
    %dma_start3A_25 = tpu.memref_squeeze %dma_start3A_24 : memref<1x80xi32, #tpu.memory_space<vmem>> -> memref<80xi32, #tpu.memory_space<vmem>>
    %dma_start3A_26 = arith.constant 0 : i32
    %dma_start3A_27 = arith.constant 0 : i32
    %dma_start3A_28 = tpu.memref_slice %arg2[%dma_start3A_26, %dma_start3A_27] : memref<1280x128xf32, #tpu.memory_space<hbm>> -> memref<1280x128xf32, #tpu.memory_space<hbm>>
    tpu.enqueue_indirect_dma source(%dma_start3A_28 : memref<1280x128xf32, #tpu.memory_space<hbm>>) target(%dma_start3A_22 : memref<80x128xf32, #tpu.memory_space<vmem>>) offsets(%dma_start3A_25 : memref<80xi32, #tpu.memory_space<vmem>>) semaphore(%arg7 : memref<!tpu.dma_semaphore, #tpu.memory_space<semaphore_mem>>)
    %dma_wait3A_29 = arith.constant 1 : i32
    %dma_wait3A_30 = arith.constant 80 : i32
    %dma_wait3A_31 = arith.constant 0 : i32
    %dma_wait3A_32 = tpu.memref_slice %arg6[%dma_wait3A_30, %dma_wait3A_31] : memref<320x128xf32, #tpu.memory_space<vmem>> -> memref<80x128xf32, #tpu.memory_space<vmem>>
    %dma_wait3A_33 = arith.constant 0 : i32
    %dma_wait3A_34 = tpu.memref_slice %arg5[%dma_wait3A_29, %dma_wait3A_33] : memref<4x80xi32, #tpu.memory_space<vmem>> -> memref<1x80xi32, #tpu.memory_space<vmem>>
    %dma_wait3A_35 = tpu.memref_squeeze %dma_wait3A_34 : memref<1x80xi32, #tpu.memory_space<vmem>> -> memref<80xi32, #tpu.memory_space<vmem>>
    %dma_wait3A_36 = arith.constant 0 : i32
    %dma_wait3A_37 = arith.constant 0 : i32
    %dma_wait3A_38 = tpu.memref_slice %arg2[%dma_wait3A_36, %dma_wait3A_37] : memref<1280x128xf32, #tpu.memory_space<hbm>> -> memref<1280x128xf32, #tpu.memory_space<hbm>>
    tpu.wait_indirect_dma semaphore(%arg7 : memref<!tpu.dma_semaphore, #tpu.memory_space<semaphore_mem>>) src(%dma_wait3A_38 : memref<1280x128xf32, #tpu.memory_space<hbm>>) dst(%dma_wait3A_32 : memref<80x128xf32, #tpu.memory_space<vmem>>)
    %dma_start3A_39 = arith.constant 2 : i32
    %dma_start3A_40 = arith.constant 160 : i32
    %dma_start3A_41 = arith.constant 0 : i32
    %dma_start3A_42 = tpu.memref_slice %arg6[%dma_start3A_40, %dma_start3A_41] : memref<320x128xf32, #tpu.memory_space<vmem>> -> memref<80x128xf32, #tpu.memory_space<vmem>>
    %dma_start3A_43 = arith.constant 0 : i32
    %dma_start3A_44 = tpu.memref_slice %arg5[%dma_start3A_39, %dma_start3A_43] : memref<4x80xi32, #tpu.memory_space<vmem>> -> memref<1x80xi32, #tpu.memory_space<vmem>>
    %dma_start3A_45 = tpu.memref_squeeze %dma_start3A_44 : memref<1x80xi32, #tpu.memory_space<vmem>> -> memref<80xi32, #tpu.memory_space<vmem>>
    %dma_start3A_46 = arith.constant 0 : i32
    %dma_start3A_47 = arith.constant 0 : i32
    %dma_start3A_48 = tpu.memref_slice %arg2[%dma_start3A_46, %dma_start3A_47] : memref<1280x128xf32, #tpu.memory_space<hbm>> -> memref<1280x128xf32, #tpu.memory_space<hbm>>
    tpu.enqueue_indirect_dma source(%dma_start3A_48 : memref<1280x128xf32, #tpu.memory_space<hbm>>) target(%dma_start3A_42 : memref<80x128xf32, #tpu.memory_space<vmem>>) offsets(%dma_start3A_45 : memref<80xi32, #tpu.memory_space<vmem>>) semaphore(%arg7 : memref<!tpu.dma_semaphore, #tpu.memory_space<semaphore_mem>>)
    %dma_wait3A_49 = arith.constant 2 : i32
    %dma_wait3A_50 = arith.constant 160 : i32
    %dma_wait3A_51 = arith.constant 0 : i32
    %dma_wait3A_52 = tpu.memref_slice %arg6[%dma_wait3A_50, %dma_wait3A_51] : memref<320x128xf32, #tpu.memory_space<vmem>> -> memref<80x128xf32, #tpu.memory_space<vmem>>
    %dma_wait3A_53 = arith.constant 0 : i32
    %dma_wait3A_54 = tpu.memref_slice %arg5[%dma_wait3A_49, %dma_wait3A_53] : memref<4x80xi32, #tpu.memory_space<vmem>> -> memref<1x80xi32, #tpu.memory_space<vmem>>
    %dma_wait3A_55 = tpu.memref_squeeze %dma_wait3A_54 : memref<1x80xi32, #tpu.memory_space<vmem>> -> memref<80xi32, #tpu.memory_space<vmem>>
    %dma_wait3A_56 = arith.constant 0 : i32
    %dma_wait3A_57 = arith.constant 0 : i32
    %dma_wait3A_58 = tpu.memref_slice %arg2[%dma_wait3A_56, %dma_wait3A_57] : memref<1280x128xf32, #tpu.memory_space<hbm>> -> memref<1280x128xf32, #tpu.memory_space<hbm>>
    tpu.wait_indirect_dma semaphore(%arg7 : memref<!tpu.dma_semaphore, #tpu.memory_space<semaphore_mem>>) src(%dma_wait3A_58 : memref<1280x128xf32, #tpu.memory_space<hbm>>) dst(%dma_wait3A_52 : memref<80x128xf32, #tpu.memory_space<vmem>>)
    %dma_start3A_59 = arith.constant 3 : i32
    %dma_start3A_60 = arith.constant 240 : i32
    %dma_start3A_61 = arith.constant 0 : i32
    %dma_start3A_62 = tpu.memref_slice %arg6[%dma_start3A_60, %dma_start3A_61] : memref<320x128xf32, #tpu.memory_space<vmem>> -> memref<80x128xf32, #tpu.memory_space<vmem>>
    %dma_start3A_63 = arith.constant 0 : i32
    %dma_start3A_64 = tpu.memref_slice %arg5[%dma_start3A_59, %dma_start3A_63] : memref<4x80xi32, #tpu.memory_space<vmem>> -> memref<1x80xi32, #tpu.memory_space<vmem>>
    %dma_start3A_65 = tpu.memref_squeeze %dma_start3A_64 : memref<1x80xi32, #tpu.memory_space<vmem>> -> memref<80xi32, #tpu.memory_space<vmem>>
    %dma_start3A_66 = arith.constant 0 : i32
    %dma_start3A_67 = arith.constant 0 : i32
    %dma_start3A_68 = tpu.memref_slice %arg2[%dma_start3A_66, %dma_start3A_67] : memref<1280x128xf32, #tpu.memory_space<hbm>> -> memref<1280x128xf32, #tpu.memory_space<hbm>>
    tpu.enqueue_indirect_dma source(%dma_start3A_68 : memref<1280x128xf32, #tpu.memory_space<hbm>>) target(%dma_start3A_62 : memref<80x128xf32, #tpu.memory_space<vmem>>) offsets(%dma_start3A_65 : memref<80xi32, #tpu.memory_space<vmem>>) semaphore(%arg7 : memref<!tpu.dma_semaphore, #tpu.memory_space<semaphore_mem>>)
    %dma_wait3A_69 = arith.constant 3 : i32
    %dma_wait3A_70 = arith.constant 240 : i32
    %dma_wait3A_71 = arith.constant 0 : i32
    %dma_wait3A_72 = tpu.memref_slice %arg6[%dma_wait3A_70, %dma_wait3A_71] : memref<320x128xf32, #tpu.memory_space<vmem>> -> memref<80x128xf32, #tpu.memory_space<vmem>>
    %dma_wait3A_73 = arith.constant 0 : i32
    %dma_wait3A_74 = tpu.memref_slice %arg5[%dma_wait3A_69, %dma_wait3A_73] : memref<4x80xi32, #tpu.memory_space<vmem>> -> memref<1x80xi32, #tpu.memory_space<vmem>>
    %dma_wait3A_75 = tpu.memref_squeeze %dma_wait3A_74 : memref<1x80xi32, #tpu.memory_space<vmem>> -> memref<80xi32, #tpu.memory_space<vmem>>
    %dma_wait3A_76 = arith.constant 0 : i32
    %dma_wait3A_77 = arith.constant 0 : i32
    %dma_wait3A_78 = tpu.memref_slice %arg2[%dma_wait3A_76, %dma_wait3A_77] : memref<1280x128xf32, #tpu.memory_space<hbm>> -> memref<1280x128xf32, #tpu.memory_space<hbm>>
    tpu.wait_indirect_dma semaphore(%arg7 : memref<!tpu.dma_semaphore, #tpu.memory_space<semaphore_mem>>) src(%dma_wait3A_78 : memref<1280x128xf32, #tpu.memory_space<hbm>>) dst(%dma_wait3A_72 : memref<80x128xf32, #tpu.memory_space<vmem>>)
    "tpu.region"() ({
      %run_scoped3A = tpu.sem_alloc : memref<!tpu.dma_semaphore, #tpu.memory_space<semaphore_mem>>
      %dma_start3A_79 = arith.constant 0 : i32
      %dma_start3A_80 = arith.constant 0 : i32
      %dma_start3A_81 = tpu.memref_slice %arg4[%add3A, %dma_start3A_79, %dma_start3A_80] : memref<32x320x128xf32, #tpu.memory_space<hbm>> -> memref<1x320x128xf32, #tpu.memory_space<hbm>>
      %dma_start3A_82 = tpu.memref_squeeze %dma_start3A_81 : memref<1x320x128xf32, #tpu.memory_space<hbm>> -> memref<320x128xf32, #tpu.memory_space<hbm>>
      %dma_start3A_83 = arith.constant 0 : i32
      %dma_start3A_84 = arith.constant 0 : i32
      %dma_start3A_85 = tpu.memref_slice %arg4[%add3A, %dma_start3A_83, %dma_start3A_84] : memref<32x320x128xf32, #tpu.memory_space<hbm>> -> memref<1x320x128xf32, #tpu.memory_space<hbm>>
      %dma_start3A_86 = tpu.memref_squeeze %dma_start3A_85 : memref<1x320x128xf32, #tpu.memory_space<hbm>> -> memref<320x128xf32, #tpu.memory_space<hbm>>
      tpu.enqueue_dma source(%arg6 : memref<320x128xf32, #tpu.memory_space<vmem>>) target(%dma_start3A_86 : memref<320x128xf32, #tpu.memory_space<hbm>>) target_semaphore(%run_scoped3A : memref<!tpu.dma_semaphore, #tpu.memory_space<semaphore_mem>>)
      %dma_wait3A_87 = arith.constant 0 : i32
      %dma_wait3A_88 = arith.constant 0 : i32
      %dma_wait3A_89 = tpu.memref_slice %arg4[%add3A, %dma_wait3A_87, %dma_wait3A_88] : memref<32x320x128xf32, #tpu.memory_space<hbm>> -> memref<1x320x128xf32, #tpu.memory_space<hbm>>
      %dma_wait3A_90 = tpu.memref_squeeze %dma_wait3A_89 : memref<1x320x128xf32, #tpu.memory_space<hbm>> -> memref<320x128xf32, #tpu.memory_space<hbm>>
      %dma_wait3A_91 = arith.constant 0 : i32
      %dma_wait3A_92 = arith.constant 0 : i32
      %dma_wait3A_93 = tpu.memref_slice %arg4[%add3A, %dma_wait3A_91, %dma_wait3A_92] : memref<32x320x128xf32, #tpu.memory_space<hbm>> -> memref<1x320x128xf32, #tpu.memory_space<hbm>>
      %dma_wait3A_94 = tpu.memref_squeeze %dma_wait3A_93 : memref<1x320x128xf32, #tpu.memory_space<hbm>> -> memref<320x128xf32, #tpu.memory_space<hbm>>
      tpu.wait_dma2 semaphore(%run_scoped3A : memref<!tpu.dma_semaphore, #tpu.memory_space<semaphore_mem>>) src(%arg6 : memref<320x128xf32, #tpu.memory_space<vmem>>) dst(%dma_wait3A_94 : memref<320x128xf32, #tpu.memory_space<hbm>>)
      tpu.yield
    }) : () -> ()
    return
  }
}

module attributes {stable_mosaic.version = 14 : i64} {
  func.func @_scores_body(%arg0: i32, %arg1: i32, %arg2: memref<1x16x128x80xf32, #tpu.memory_space<vmem>>, %arg3: memref<1x16x128xf32, #tpu.memory_space<vmem>>, %arg4: memref<1x90x16x128xf32, #tpu.memory_space<vmem>>, %arg5: memref<1x16x128x80xf32, #tpu.memory_space<vmem>>, %arg6: memref<1x16x128xf32, #tpu.memory_space<vmem>>) attributes {dimension_semantics = [#tpu.dimension_semantics<arbitrary>, #tpu.dimension_semantics<arbitrary>], iteration_bounds = array<i64: 2, 8>, scalar_prefetch = 0 : i64, scratch_operands = 0 : i64, tpu.core_type = #tpu.core_type<tc>, window_params = [{transform_indices = @transform_0, window_bounds = array<i64: 1, 16, 128, 80>}, {transform_indices = @transform_1, window_bounds = array<i64: 1, 16, 128>}, {transform_indices = @transform_2, window_bounds = array<i64: 1, 90, 16, 128>}, {transform_indices = @transform_3, window_bounds = array<i64: 1, 16, 128, 80>}, {transform_indices = @transform_4, window_bounds = array<i64: 1, 16, 128>}]} {
    %get3A = arith.constant 0 : index
    %get3A_0 = arith.constant 0 : index
    %get3A_1 = arith.constant 0 : index
    %get3A_2 = arith.constant 0 : index
    %get3A_3 = vector.load %arg2[%get3A, %get3A_0, %get3A_1, %get3A_2] : memref<1x16x128x80xf32, #tpu.memory_space<vmem>>, vector<1x16x128x80xf32>
    %logistic3A = arith.negf %get3A_3 : vector<1x16x128x80xf32>
    %logistic3A_4 = math.exp %logistic3A : vector<1x16x128x80xf32>
    %logistic3A_5 = arith.constant 1.000000e+00 : f32
    %logistic3A_6 = vector.broadcast %logistic3A_5 : f32 to vector<1x16x128x80xf32>
    %logistic3A_7 = arith.addf %logistic3A_6, %logistic3A_4 : vector<1x16x128x80xf32>
    %logistic3A_8 = arith.divf %logistic3A_6, %logistic3A_7 : vector<1x16x128x80xf32>
    %get3A_9 = arith.constant 0 : index
    %get3A_10 = arith.constant 0 : index
    %get3A_11 = arith.constant 0 : index
    %get3A_12 = vector.load %arg3[%get3A_9, %get3A_10, %get3A_11] : memref<1x16x128xf32, #tpu.memory_space<vmem>>, vector<1x16x128xf32>
    %logistic3A_13 = arith.negf %get3A_12 : vector<1x16x128xf32>
    %logistic3A_14 = math.exp %logistic3A_13 : vector<1x16x128xf32>
    %logistic3A_15 = arith.constant 1.000000e+00 : f32
    %logistic3A_16 = vector.broadcast %logistic3A_15 : f32 to vector<1x16x128xf32>
    %logistic3A_17 = arith.addf %logistic3A_16, %logistic3A_14 : vector<1x16x128xf32>
    %logistic3A_18 = arith.divf %logistic3A_16, %logistic3A_17 : vector<1x16x128xf32>
    %broadcast_in_dim3A = vector.shape_cast %logistic3A_18 : vector<1x16x128xf32> to vector<1x16x128x1xf32>
    %gt3A = arith.constant 5.000000e-02 : f32
    %gt3A_19 = vector.broadcast %gt3A : f32 to vector<1x16x128x80xf32>
    %gt3A_20 = arith.cmpf ogt, %logistic3A_8, %gt3A_19 : vector<1x16x128x80xf32>
    %mul3A = vector.broadcast %broadcast_in_dim3A : vector<1x16x128x1xf32> to vector<1x16x128x80xf32>
    %mul3A_21 = arith.mulf %logistic3A_8, %mul3A : vector<1x16x128x80xf32>
    %jit3A = arith.constant 0xFF800000 : f32
    %broadcast_in_dim3A_22 = vector.broadcast %jit3A : f32 to vector<1x16x128x80xf32>
    %select_n3A = arith.select %gt3A_20, %mul3A_21, %broadcast_in_dim3A_22 : vector<1x16x128x80xi1>, vector<1x16x128x80xf32>
    %swap3A = arith.constant 0 : index
    %swap3A_23 = arith.constant 0 : index
    %swap3A_24 = arith.constant 0 : index
    %swap3A_25 = arith.constant 0 : index
    %swap3A_26 = vector.load %arg5[%swap3A, %swap3A_23, %swap3A_24, %swap3A_25] : memref<1x16x128x80xf32, #tpu.memory_space<vmem>>, vector<1x16x128x80xf32>
    tpu.vector_store %arg5[%swap3A, %swap3A_23, %swap3A_24, %swap3A_25], %select_n3A {strides = array<i32>} : memref<1x16x128x80xf32, #tpu.memory_space<vmem>>, vector<1x16x128x80xf32>,
    %get3A_27 = arith.constant 0 : index
    %get3A_28 = arith.constant 0 : index
    %get3A_29 = arith.constant 0 : index
    %get3A_30 = arith.constant 0 : index
    %get3A_31 = vector.load %arg4[%get3A_27, %get3A_28, %get3A_29, %get3A_30] : memref<1x90x16x128xf32, #tpu.memory_space<vmem>>, vector<1x90x16x128xf32>
    %get3A_32 = vector.shape_cast %get3A_31 : vector<1x90x16x128xf32> to vector<90x16x128xf32>
    %reduce_max3A = arith.constant dense<0xFF800000> : vector<16x128xf32>
    %reduce_max3A_33 = vector.multi_reduction <maximumf>, %get3A_32, %reduce_max3A [0] : vector<90x16x128xf32> to vector<16x128xf32>
    %broadcast_in_dim3A_34 = vector.shape_cast %reduce_max3A_33 : vector<16x128xf32> to vector<1x16x128xf32>
    %iota3A = tpu.iota {dimensions = array<i32: 0>} : vector<90x16x128xi32>
    %eq3A = vector.broadcast %broadcast_in_dim3A_34 : vector<1x16x128xf32> to vector<90x16x128xf32>
    %eq3A_35 = arith.cmpf oeq, %get3A_32, %eq3A : vector<90x16x128xf32>
    %jit3A_36 = arith.constant 90 : i32
    %broadcast_in_dim3A_37 = vector.broadcast %jit3A_36 : i32 to vector<90x16x128xi32>
    %select_n3A_38 = arith.select %eq3A_35, %iota3A, %broadcast_in_dim3A_37 : vector<90x16x128xi1>, vector<90x16x128xi32>
    %reduce_min3A = arith.constant dense<2147483647> : vector<16x128xi32>
    %reduce_min3A_39 = vector.multi_reduction <minsi>, %select_n3A_38, %reduce_min3A [0] : vector<90x16x128xi32> to vector<16x128xi32>
    %broadcast_in_dim3A_40 = vector.shape_cast %reduce_min3A_39 : vector<16x128xi32> to vector<1x16x128xi32>
    %convert_element_type3A = arith.sitofp %broadcast_in_dim3A_40 : vector<1x16x128xi32> to vector<1x16x128xf32>
    %swap3A_41 = arith.constant 0 : index
    %swap3A_42 = arith.constant 0 : index
    %swap3A_43 = arith.constant 0 : index
    %swap3A_44 = vector.load %arg6[%swap3A_41, %swap3A_42, %swap3A_43] : memref<1x16x128xf32, #tpu.memory_space<vmem>>, vector<1x16x128xf32>
    tpu.vector_store %arg6[%swap3A_41, %swap3A_42, %swap3A_43], %convert_element_type3A {strides = array<i32>} : memref<1x16x128xf32, #tpu.memory_space<vmem>>, vector<1x16x128xf32>,
    return
  }
  func.func @transform_0(%arg0: i32, %arg1: i32) -> (i32, i32, i32, i32) {
    %c0_i32 = arith.constant 0 : i32
    %c0_i32_0 = arith.constant 0 : i32
    %c0_i32_1 = arith.constant 0 : i32
    return %arg0, %arg1, %c0_i32, %c0_i32_0 : i32, i32, i32, i32
  }
  func.func @transform_1(%arg0: i32, %arg1: i32) -> (i32, i32, i32) {
    %c0_i32 = arith.constant 0 : i32
    %c0_i32_0 = arith.constant 0 : i32
    return %arg0, %arg1, %c0_i32 : i32, i32, i32
  }
  func.func @transform_2(%arg0: i32, %arg1: i32) -> (i32, i32, i32, i32) {
    %c0_i32 = arith.constant 0 : i32
    %c0_i32_0 = arith.constant 0 : i32
    %c0_i32_1 = arith.constant 0 : i32
    return %arg0, %c0_i32, %arg1, %c0_i32_0 : i32, i32, i32, i32
  }
  func.func @transform_3(%arg0: i32, %arg1: i32) -> (i32, i32, i32, i32) {
    %c0_i32 = arith.constant 0 : i32
    %c0_i32_0 = arith.constant 0 : i32
    %c0_i32_1 = arith.constant 0 : i32
    return %arg0, %arg1, %c0_i32, %c0_i32_0 : i32, i32, i32, i32
  }
  func.func @transform_4(%arg0: i32, %arg1: i32) -> (i32, i32, i32) {
    %c0_i32 = arith.constant 0 : i32
    %c0_i32_0 = arith.constant 0 : i32
    return %arg0, %arg1, %c0_i32 : i32, i32, i32
  }
}

module attributes {stable_mosaic.version = 14 : i64} {
  func.func @_nms_body(%arg0: i32, %arg1: memref<1x1024x8xf32, #tpu.memory_space<vmem>>, %arg2: memref<1x16384x5xf32, #tpu.memory_space<vmem>>, %arg3: memref<1x1x1024xi32, #tpu.memory_space<smem>>, %arg4: memref<1x8x1024xf32, #tpu.memory_space<vmem>>, %arg5: memref<1x104x8xf32, #tpu.memory_space<vmem>>, %arg6: memref<1024x1024xf32, #tpu.memory_space<vmem>>, %arg7: memref<1024x8xf32, #tpu.memory_space<vmem>>, %arg8: memref<1024x8xf32, #tpu.memory_space<vmem>>) attributes {dimension_semantics = [#tpu.dimension_semantics<arbitrary>], iteration_bounds = array<i64: 2>, scalar_prefetch = 0 : i64, scratch_operands = 3 : i64, tpu.core_type = #tpu.core_type<tc>, window_params = [{transform_indices = @transform_0, window_bounds = array<i64: 1, 1024, 8>}, {transform_indices = @transform_1, window_bounds = array<i64: 1, 16384, 5>}, {transform_indices = @transform_2, window_bounds = array<i64: 1, 1, 1024>}, {transform_indices = @transform_3, window_bounds = array<i64: 1, 8, 1024>}, {transform_indices = @transform_4, window_bounds = array<i64: 1, 104, 8>}]} {
    %get3A = arith.constant 0 : index
    %get3A_0 = arith.constant 0 : index
    %get3A_1 = arith.constant 0 : index
    %get3A_2 = vector.load %arg1[%get3A, %get3A_0, %get3A_1] : memref<1x1024x8xf32, #tpu.memory_space<vmem>>, vector<1x1024x8xf32>
    %get3A_3 = vector.shape_cast %get3A_2 : vector<1x1024x8xf32> to vector<1024x8xf32>
    %get3A_4 = arith.constant 0 : index
    %get3A_5 = arith.constant 0 : index
    %get3A_6 = arith.constant 0 : index
    %get3A_7 = vector.load %arg4[%get3A_4, %get3A_5, %get3A_6] : memref<1x8x1024xf32, #tpu.memory_space<vmem>>, vector<1x8x1024xf32>
    %get3A_8 = vector.shape_cast %get3A_7 : vector<1x8x1024xf32> to vector<8x1024xf32>
    %broadcast_in_dim3A = arith.constant 0.000000e+00 : f32
    %broadcast_in_dim3A_9 = vector.broadcast %broadcast_in_dim3A : f32 to vector<1024x8xf32>
    %swap3A = arith.constant 0 : index
    %swap3A_10 = arith.constant 0 : index
    %swap3A_11 = vector.load %arg8[%swap3A, %swap3A_10] : memref<1024x8xf32, #tpu.memory_space<vmem>>, vector<1024x8xf32>
    tpu.vector_store %arg8[%swap3A, %swap3A_10], %broadcast_in_dim3A_9 {strides = array<i32>} : memref<1024x8xf32, #tpu.memory_space<vmem>>, vector<1024x8xf32>,
    %scan3A = arith.constant 0 : i32
    %scan3A_12 = arith.constant 1000 : i32
    %scan3A_13 = arith.addi %scan3A, %scan3A_12 : i32
    %scan3A_14 = arith.constant 1 : i32
    scf.for %scan3A_165 = %scan3A to %scan3A_13 step %scan3A_14  : i32 {
      %get3A_166 = arith.constant 0 : index
      %get3A_167 = arith.constant 0 : index
      %get3A_168 = arith.index_cast %scan3A_165 : i32 to index
      %get3A_169 = memref.load %arg3[%get3A_166, %get3A_167, %get3A_168] : memref<1x1x1024xi32, #tpu.memory_space<smem>>
      %get3A_170 = arith.constant 0 : index
      %get3A_171 = arith.index_cast %get3A_169 : i32 to index
      %get3A_172 = arith.constant 0 : index
      %get3A_173 = vector.load %arg2[%get3A_170, %get3A_171, %get3A_172] : memref<1x16384x5xf32, #tpu.memory_space<vmem>>, vector<1x1x5xf32>
      %get3A_174 = vector.shape_cast %get3A_173 : vector<1x1x5xf32> to vector<1x5xf32>
      %swap3A_175 = arith.index_cast %scan3A_165 : i32 to index
      %swap3A_176 = arith.constant 0 : index
      %swap3A_177 = vector.load %arg8[%swap3A_175, %swap3A_176] : memref<1024x8xf32, #tpu.memory_space<vmem>>, vector<1x5xf32>
      tpu.vector_store %arg8[%swap3A_175, %swap3A_176], %get3A_174 {strides = array<i32>} : memref<1024x8xf32, #tpu.memory_space<vmem>>, vector<1x5xf32>,
    }
    %scan3A_15 = arith.constant 1000 : i32
    %get3A_16 = arith.constant 0 : index
    %get3A_17 = arith.constant 0 : index
    %get3A_18 = vector.load %arg8[%get3A_16, %get3A_17] : memref<1024x8xf32, #tpu.memory_space<vmem>>, vector<1024x8xf32>
    %slice3A = vector.extract_strided_slice %get3A_18 {offsets = [0, 2], sizes = [1024, 1], strides = [1, 1]} : vector<1024x8xf32> to vector<1024x1xf32>
    %slice3A_19 = vector.extract_strided_slice %get3A_18 {offsets = [0, 3], sizes = [1024, 1], strides = [1, 1]} : vector<1024x8xf32> to vector<1024x1xf32>
    %slice3A_20 = vector.extract_strided_slice %get3A_3 {offsets = [0, 0], sizes = [1024, 1], strides = [1, 1]} : vector<1024x8xf32> to vector<1024x1xf32>
    %mul3A = arith.mulf %slice3A_20, %slice3A : vector<1024x1xf32>
    %slice3A_21 = vector.extract_strided_slice %get3A_18 {offsets = [0, 0], sizes = [1024, 1], strides = [1, 1]} : vector<1024x8xf32> to vector<1024x1xf32>
    %add3A = arith.addf %mul3A, %slice3A_21 : vector<1024x1xf32>
    %slice3A_22 = vector.extract_strided_slice %get3A_3 {offsets = [0, 1], sizes = [1024, 1], strides = [1, 1]} : vector<1024x8xf32> to vector<1024x1xf32>
    %mul3A_23 = arith.mulf %slice3A_22, %slice3A_19 : vector<1024x1xf32>
    %slice3A_24 = vector.extract_strided_slice %get3A_18 {offsets = [0, 1], sizes = [1024, 1], strides = [1, 1]} : vector<1024x8xf32> to vector<1024x1xf32>
    %add3A_25 = arith.addf %mul3A_23, %slice3A_24 : vector<1024x1xf32>
    %slice3A_26 = vector.extract_strided_slice %get3A_3 {offsets = [0, 2], sizes = [1024, 1], strides = [1, 1]} : vector<1024x8xf32> to vector<1024x1xf32>
    %jit3A = arith.constant -4.000000e+00 : f32
    %jit3A_27 = arith.constant 4.000000e+00 : f32
    %max3A = vector.broadcast %jit3A : f32 to vector<1024x1xf32>
    %max3A_28 = arith.maximumf %max3A, %slice3A_26 : vector<1024x1xf32>
    %min3A = vector.broadcast %jit3A_27 : f32 to vector<1024x1xf32>
    %min3A_29 = arith.minimumf %min3A, %max3A_28 : vector<1024x1xf32>
    %exp3A = math.exp %min3A_29 : vector<1024x1xf32>
    %mul3A_30 = arith.mulf %exp3A, %slice3A : vector<1024x1xf32>
    %slice3A_31 = vector.extract_strided_slice %get3A_3 {offsets = [0, 3], sizes = [1024, 1], strides = [1, 1]} : vector<1024x8xf32> to vector<1024x1xf32>
    %jit3A_32 = arith.constant -4.000000e+00 : f32
    %jit3A_33 = arith.constant 4.000000e+00 : f32
    %max3A_34 = vector.broadcast %jit3A_32 : f32 to vector<1024x1xf32>
    %max3A_35 = arith.maximumf %max3A_34, %slice3A_31 : vector<1024x1xf32>
    %min3A_36 = vector.broadcast %jit3A_33 : f32 to vector<1024x1xf32>
    %min3A_37 = arith.minimumf %min3A_36, %max3A_35 : vector<1024x1xf32>
    %exp3A_38 = math.exp %min3A_37 : vector<1024x1xf32>
    %mul3A_39 = arith.mulf %exp3A_38, %slice3A_19 : vector<1024x1xf32>
    %slice3A_40 = vector.extract_strided_slice %get3A_3 {offsets = [0, 5], sizes = [1024, 1], strides = [1, 1]} : vector<1024x8xf32> to vector<1024x1xf32>
    %slice3A_41 = vector.extract_strided_slice %get3A_3 {offsets = [0, 6], sizes = [1024, 1], strides = [1, 1]} : vector<1024x8xf32> to vector<1024x1xf32>
    %mul3A_42 = arith.constant 4.096000e+03 : f32
    %mul3A_43 = vector.broadcast %mul3A_42 : f32 to vector<1024x1xf32>
    %mul3A_44 = arith.mulf %slice3A_40, %mul3A_43 : vector<1024x1xf32>
    %mul3A_45 = arith.constant 5.000000e-01 : f32
    %mul3A_46 = vector.broadcast %mul3A_45 : f32 to vector<1024x1xf32>
    %mul3A_47 = arith.mulf %mul3A_30, %mul3A_46 : vector<1024x1xf32>
    %sub3A = arith.subf %add3A, %mul3A_47 : vector<1024x1xf32>
    %add3A_48 = arith.addf %sub3A, %mul3A_44 : vector<1024x1xf32>
    %mul3A_49 = arith.constant 5.000000e-01 : f32
    %mul3A_50 = vector.broadcast %mul3A_49 : f32 to vector<1024x1xf32>
    %mul3A_51 = arith.mulf %mul3A_39, %mul3A_50 : vector<1024x1xf32>
    %sub3A_52 = arith.subf %add3A_25, %mul3A_51 : vector<1024x1xf32>
    %add3A_53 = arith.addf %sub3A_52, %mul3A_44 : vector<1024x1xf32>
    %mul3A_54 = arith.constant 5.000000e-01 : f32
    %mul3A_55 = vector.broadcast %mul3A_54 : f32 to vector<1024x1xf32>
    %mul3A_56 = arith.mulf %mul3A_30, %mul3A_55 : vector<1024x1xf32>
    %add3A_57 = arith.addf %add3A, %mul3A_56 : vector<1024x1xf32>
    %add3A_58 = arith.addf %add3A_57, %mul3A_44 : vector<1024x1xf32>
    %mul3A_59 = arith.constant 5.000000e-01 : f32
    %mul3A_60 = vector.broadcast %mul3A_59 : f32 to vector<1024x1xf32>
    %mul3A_61 = arith.mulf %mul3A_39, %mul3A_60 : vector<1024x1xf32>
    %add3A_62 = arith.addf %add3A_25, %mul3A_61 : vector<1024x1xf32>
    %add3A_63 = arith.addf %add3A_62, %mul3A_44 : vector<1024x1xf32>
    %sub3A_64 = arith.subf %add3A_58, %add3A_48 : vector<1024x1xf32>
    %sub3A_65 = arith.subf %add3A_63, %add3A_53 : vector<1024x1xf32>
    %mul3A_66 = arith.mulf %sub3A_64, %sub3A_65 : vector<1024x1xf32>
    %broadcast_in_dim3A_67 = arith.constant 0.000000e+00 : f32
    %broadcast_in_dim3A_68 = vector.broadcast %broadcast_in_dim3A_67 : f32 to vector<1024x2xf32>
    %concatenate3A = tpu.concatenate %add3A, %add3A_25, %mul3A_30, %mul3A_39, %slice3A_41, %slice3A_40, %broadcast_in_dim3A_68 in 1 : vector<1024x1xf32>, vector<1024x1xf32>, vector<1024x1xf32>, vector<1024x1xf32>, vector<1024x1xf32>, vector<1024x1xf32>, vector<1024x2xf32> -> vector<1024x8xf32>
    %swap3A_69 = arith.constant 0 : index
    %swap3A_70 = arith.constant 0 : index
    %swap3A_71 = vector.load %arg7[%swap3A_69, %swap3A_70] : memref<1024x8xf32, #tpu.memory_space<vmem>>, vector<1024x8xf32>
    tpu.vector_store %arg7[%swap3A_69, %swap3A_70], %concatenate3A {strides = array<i32>} : memref<1024x8xf32, #tpu.memory_space<vmem>>, vector<1024x8xf32>,
    %slice3A_72 = vector.extract_strided_slice %get3A_8 {offsets = [0, 0], sizes = [1, 1024], strides = [1, 1]} : vector<8x1024xf32> to vector<1x1024xf32>
    %broadcast_in_dim3A_73 = arith.constant 0.000000e+00 : f32
    %broadcast_in_dim3A_74 = vector.broadcast %broadcast_in_dim3A_73 : f32 to vector<1024x2xf32>
    %concatenate3A_75 = tpu.concatenate %add3A_48, %add3A_53, %add3A_58, %add3A_63, %mul3A_30, %mul3A_39, %broadcast_in_dim3A_74 in 1 : vector<1024x1xf32>, vector<1024x1xf32>, vector<1024x1xf32>, vector<1024x1xf32>, vector<1024x1xf32>, vector<1024x1xf32>, vector<1024x2xf32> -> vector<1024x8xf32>
    %iota3A = tpu.iota {dimensions = array<i32: 0>} : vector<1024x1024xi32>
    %iota3A_76 = tpu.iota {dimensions = array<i32: 1>} : vector<1024x1024xi32>
    %eq3A = arith.cmpi eq, %iota3A, %iota3A_76 : vector<1024x1024xi32>
    %convert_element_type3A = arith.extui %eq3A : vector<1024x1024xi1> to vector<1024x1024xi32>
    %convert_element_type3A_77 = arith.sitofp %convert_element_type3A : vector<1024x1024xi32> to vector<1024x1024xf32>
    %dot_general3A = arith.constant dense<0.000000e+00> : vector<8x1024xf32>
    %dot_general3A_78 = tpu.matmul %concatenate3A_75, %convert_element_type3A_77, %dot_general3A {dimension_numbers = #tpu.dot_dimension_numbers<[0], [0], [1], [1], [0, 1, 1, 1], [], []>, transpose_lhs_hint = false} : vector<1024x8xf32>, vector<1024x1024xf32>, vector<8x1024xf32> -> vector<8x1024xf32>
    %slice3A_79 = vector.extract_strided_slice %dot_general3A_78 {offsets = [0, 0], sizes = [1, 1024], strides = [1, 1]} : vector<8x1024xf32> to vector<1x1024xf32>
    %slice3A_80 = vector.extract_strided_slice %dot_general3A_78 {offsets = [1, 0], sizes = [1, 1024], strides = [1, 1]} : vector<8x1024xf32> to vector<1x1024xf32>
    %slice3A_81 = vector.extract_strided_slice %dot_general3A_78 {offsets = [2, 0], sizes = [1, 1024], strides = [1, 1]} : vector<8x1024xf32> to vector<1x1024xf32>
    %slice3A_82 = vector.extract_strided_slice %dot_general3A_78 {offsets = [3, 0], sizes = [1, 1024], strides = [1, 1]} : vector<8x1024xf32> to vector<1x1024xf32>
    %slice3A_83 = vector.extract_strided_slice %dot_general3A_78 {offsets = [4, 0], sizes = [1, 1024], strides = [1, 1]} : vector<8x1024xf32> to vector<1x1024xf32>
    %slice3A_84 = vector.extract_strided_slice %dot_general3A_78 {offsets = [5, 0], sizes = [1, 1024], strides = [1, 1]} : vector<8x1024xf32> to vector<1x1024xf32>
    %sub3A_85 = arith.subf %slice3A_81, %slice3A_79 : vector<1x1024xf32>
    %sub3A_86 = arith.subf %slice3A_82, %slice3A_80 : vector<1x1024xf32>
    %mul3A_87 = arith.mulf %sub3A_85, %sub3A_86 : vector<1x1024xf32>
    %max3A_88 = vector.broadcast %add3A_48 : vector<1024x1xf32> to vector<1024x1024xf32>
    %max3A_89 = vector.broadcast %slice3A_79 : vector<1x1024xf32> to vector<1024x1024xf32>
    %max3A_90 = arith.maximumf %max3A_88, %max3A_89 : vector<1024x1024xf32>
    %max3A_91 = vector.broadcast %add3A_53 : vector<1024x1xf32> to vector<1024x1024xf32>
    %max3A_92 = vector.broadcast %slice3A_80 : vector<1x1024xf32> to vector<1024x1024xf32>
    %max3A_93 = arith.maximumf %max3A_91, %max3A_92 : vector<1024x1024xf32>
    %min3A_94 = vector.broadcast %add3A_58 : vector<1024x1xf32> to vector<1024x1024xf32>
    %min3A_95 = vector.broadcast %slice3A_81 : vector<1x1024xf32> to vector<1024x1024xf32>
    %min3A_96 = arith.minimumf %min3A_94, %min3A_95 : vector<1024x1024xf32>
    %min3A_97 = vector.broadcast %add3A_63 : vector<1024x1xf32> to vector<1024x1024xf32>
    %min3A_98 = vector.broadcast %slice3A_82 : vector<1x1024xf32> to vector<1024x1024xf32>
    %min3A_99 = arith.minimumf %min3A_97, %min3A_98 : vector<1024x1024xf32>
    %sub3A_100 = arith.subf %min3A_96, %max3A_90 : vector<1024x1024xf32>
    %max3A_101 = arith.constant 0.000000e+00 : f32
    %max3A_102 = vector.broadcast %max3A_101 : f32 to vector<1024x1024xf32>
    %max3A_103 = arith.maximumf %sub3A_100, %max3A_102 : vector<1024x1024xf32>
    %sub3A_104 = arith.subf %min3A_99, %max3A_93 : vector<1024x1024xf32>
    %max3A_105 = arith.constant 0.000000e+00 : f32
    %max3A_106 = vector.broadcast %max3A_105 : f32 to vector<1024x1024xf32>
    %max3A_107 = arith.maximumf %sub3A_104, %max3A_106 : vector<1024x1024xf32>
    %mul3A_108 = arith.mulf %max3A_103, %max3A_107 : vector<1024x1024xf32>
    %add3A_109 = vector.broadcast %mul3A_66 : vector<1024x1xf32> to vector<1024x1024xf32>
    %add3A_110 = vector.broadcast %mul3A_87 : vector<1x1024xf32> to vector<1024x1024xf32>
    %add3A_111 = arith.addf %add3A_109, %add3A_110 : vector<1024x1024xf32>
    %sub3A_112 = arith.subf %add3A_111, %mul3A_108 : vector<1024x1024xf32>
    %add3A_113 = arith.constant 9.99999971E-10 : f32
    %add3A_114 = vector.broadcast %add3A_113 : f32 to vector<1024x1024xf32>
    %add3A_115 = arith.addf %sub3A_112, %add3A_114 : vector<1024x1024xf32>
    %div3A = arith.divf %mul3A_108, %add3A_115 : vector<1024x1024xf32>
    %gt3A = arith.constant 6.000000e-01 : f32
    %gt3A_116 = vector.broadcast %gt3A : f32 to vector<1024x1024xf32>
    %gt3A_117 = arith.cmpf ogt, %div3A, %gt3A_116 : vector<1024x1024xf32>
    %convert_element_type3A_118 = arith.extui %gt3A_117 : vector<1024x1024xi1> to vector<1024x1024xi32>
    %convert_element_type3A_119 = arith.sitofp %convert_element_type3A_118 : vector<1024x1024xi32> to vector<1024x1024xf32>
    %swap3A_120 = arith.constant 0 : index
    %swap3A_121 = arith.constant 0 : index
    %swap3A_122 = vector.load %arg6[%swap3A_120, %swap3A_121] : memref<1024x1024xf32, #tpu.memory_space<vmem>>, vector<1024x1024xf32>
    tpu.vector_store %arg6[%swap3A_120, %swap3A_121], %convert_element_type3A_119 {strides = array<i32>} : memref<1024x1024xf32, #tpu.memory_space<vmem>>, vector<1024x1024xf32>,
    %iota3A_123 = tpu.iota {dimensions = array<i32: 1>} : vector<1x1024xi32>
    %ge3A = arith.constant 0.000000e+00 : f32
    %ge3A_124 = vector.broadcast %ge3A : f32 to vector<1x1024xf32>
    %ge3A_125 = arith.cmpf oge, %slice3A_72, %ge3A_124 : vector<1x1024xf32>
    %ge3A_126 = arith.constant 0.000000e+00 : f32
    %ge3A_127 = vector.broadcast %ge3A_126 : f32 to vector<1x1024xf32>
    %ge3A_128 = arith.cmpf oge, %slice3A_83, %ge3A_127 : vector<1x1024xf32>
    %and3A = arith.andi %ge3A_125, %ge3A_128 : vector<1x1024xi1>
    %ge3A_129 = arith.constant 0.000000e+00 : f32
    %ge3A_130 = vector.broadcast %ge3A_129 : f32 to vector<1x1024xf32>
    %ge3A_131 = arith.cmpf oge, %slice3A_84, %ge3A_130 : vector<1x1024xf32>
    %and3A_132 = arith.andi %and3A, %ge3A_131 : vector<1x1024xi1>
    %convert_element_type3A_133 = arith.extui %and3A_132 : vector<1x1024xi1> to vector<1x1024xi32>
    %convert_element_type3A_134 = arith.sitofp %convert_element_type3A_133 : vector<1x1024xi32> to vector<1x1024xf32>
    %scan3A_135 = arith.constant 0 : i32
    %scan3A_136 = arith.constant 1000 : i32
    %scan3A_137 = arith.addi %scan3A_135, %scan3A_136 : i32
    %scan3A_138 = arith.constant 1 : i32
    %scan3A_139 = scf.for %scan3A_165 = %scan3A_135 to %scan3A_137 step %scan3A_138 iter_args(%scan3A_166 = %convert_element_type3A_134) -> (vector<1x1024xf32>)  : i32 {
      %get3A_167 = arith.index_cast %scan3A_165 : i32 to index
      %get3A_168 = arith.constant 0 : index
      %get3A_169 = vector.load %arg6[%get3A_167, %get3A_168] : memref<1024x1024xf32, #tpu.memory_space<vmem>>, vector<1x1024xf32>
      %eq3A_170 = vector.broadcast %scan3A_165 : i32 to vector<1x1024xi32>
      %eq3A_171 = arith.cmpi eq, %iota3A_123, %eq3A_170 : vector<1x1024xi32>
      %convert_element_type3A_172 = arith.extui %eq3A_171 : vector<1x1024xi1> to vector<1x1024xi32>
      %convert_element_type3A_173 = arith.sitofp %convert_element_type3A_172 : vector<1x1024xi32> to vector<1x1024xf32>
      %mul3A_174 = arith.mulf %scan3A_166, %convert_element_type3A_173 : vector<1x1024xf32>
      %reduce_sum3A = vector.shape_cast %mul3A_174 : vector<1x1024xf32> to vector<1x1x1024xf32>
      %reduce_sum3A_175 = arith.constant dense<0.000000e+00> : vector<1xf32>
      %reduce_sum3A_176 = vector.multi_reduction <add>, %reduce_sum3A, %reduce_sum3A_175 [1, 2] : vector<1x1x1024xf32> to vector<1xf32>
      %reduce_sum3A_177 = vector.shape_cast %reduce_sum3A_176 : vector<1xf32> to vector<1x1x1xf32>
      %reduce_sum3A_178 = vector.extract %reduce_sum3A_177[0, 0, 0] : f32 from vector<1x1x1xf32>
      %gt3A_179 = vector.broadcast %scan3A_165 : i32 to vector<1x1024xi32>
      %gt3A_180 = arith.cmpi sgt, %iota3A_123, %gt3A_179 : vector<1x1024xi32>
      %convert_element_type3A_181 = arith.extui %gt3A_180 : vector<1x1024xi1> to vector<1x1024xi32>
      %convert_element_type3A_182 = arith.sitofp %convert_element_type3A_181 : vector<1x1024xi32> to vector<1x1024xf32>
      %mul3A_183 = arith.mulf %get3A_169, %convert_element_type3A_182 : vector<1x1024xf32>
      %mul3A_184 = vector.broadcast %reduce_sum3A_178 : f32 to vector<1x1024xf32>
      %mul3A_185 = arith.mulf %mul3A_183, %mul3A_184 : vector<1x1024xf32>
      %sub3A_186 = arith.constant 1.000000e+00 : f32
      %sub3A_187 = vector.broadcast %sub3A_186 : f32 to vector<1x1024xf32>
      %sub3A_188 = arith.subf %sub3A_187, %mul3A_185 : vector<1x1024xf32>
      %mul3A_189 = arith.mulf %scan3A_166, %sub3A_188 : vector<1x1024xf32>
      scf.yield %mul3A_189 : vector<1x1024xf32>
    }
    %scan3A_140 = arith.constant 1000 : i32
    %jit3A_141 = arith.constant 0.000000e+00 : f32
    %broadcast_in_dim3A_142 = vector.broadcast %jit3A_141 : f32 to vector<1x1024xf32>
    %select_n3A = arith.select %ge3A_125, %slice3A_72, %broadcast_in_dim3A_142 : vector<1x1024xi1>, vector<1x1024xf32>
    %max3A_143 = arith.constant 9.99999996E-13 : f32
    %max3A_144 = vector.broadcast %max3A_143 : f32 to vector<1x1024xf32>
    %max3A_145 = arith.maximumf %select_n3A, %max3A_144 : vector<1x1024xf32>
    %sqrt3A = math.sqrt %max3A_145 : vector<1x1024xf32>
    %gt3A_146 = arith.constant 0.000000e+00 : f32
    %gt3A_147 = vector.broadcast %gt3A_146 : f32 to vector<1x1024xf32>
    %gt3A_148 = arith.cmpf ogt, %scan3A_139, %gt3A_147 : vector<1x1024xf32>
    %jit3A_149 = arith.constant -1.000000e+00 : f32
    %broadcast_in_dim3A_150 = vector.broadcast %jit3A_149 : f32 to vector<1x1024xf32>
    %select_n3A_151 = arith.select %gt3A_148, %sqrt3A, %broadcast_in_dim3A_150 : vector<1x1024xi1>, vector<1x1024xf32>
    %broadcast_in_dim3A_152 = arith.constant 0.000000e+00 : f32
    %broadcast_in_dim3A_153 = vector.broadcast %broadcast_in_dim3A_152 : f32 to vector<1x104x8xf32>
    %swap3A_154 = arith.constant 0 : index
    %swap3A_155 = arith.constant 0 : index
    %swap3A_156 = arith.constant 0 : index
    %swap3A_157 = vector.load %arg5[%swap3A_154, %swap3A_155, %swap3A_156] : memref<1x104x8xf32, #tpu.memory_space<vmem>>, vector<1x104x8xf32>
    tpu.vector_store %arg5[%swap3A_154, %swap3A_155, %swap3A_156], %broadcast_in_dim3A_153 {strides = array<i32>} : memref<1x104x8xf32, #tpu.memory_space<vmem>>, vector<1x104x8xf32>,
    %iota3A_158 = tpu.iota {dimensions = array<i32: 1>} : vector<1x8xi32>
    %scan3A_159 = arith.constant 0 : i32
    %scan3A_160 = arith.constant 100 : i32
    %scan3A_161 = arith.addi %scan3A_159, %scan3A_160 : i32
    %scan3A_162 = arith.constant 1 : i32
    %scan3A_163 = scf.for %scan3A_165 = %scan3A_159 to %scan3A_161 step %scan3A_162 iter_args(%scan3A_166 = %select_n3A_151) -> (vector<1x1024xf32>)  : i32 {
      %reduce_max3A = vector.shape_cast %scan3A_166 : vector<1x1024xf32> to vector<1x1x1024xf32>
      %reduce_max3A_167 = arith.constant dense<0xFF800000> : vector<1xf32>
      %reduce_max3A_168 = vector.multi_reduction <maximumf>, %reduce_max3A, %reduce_max3A_167 [1, 2] : vector<1x1x1024xf32> to vector<1xf32>
      %reduce_max3A_169 = vector.shape_cast %reduce_max3A_168 : vector<1xf32> to vector<1x1x1xf32>
      %reduce_max3A_170 = vector.extract %reduce_max3A_169[0, 0, 0] : f32 from vector<1x1x1xf32>
      %eq3A_171 = vector.broadcast %reduce_max3A_170 : f32 to vector<1x1024xf32>
      %eq3A_172 = arith.cmpf oeq, %scan3A_166, %eq3A_171 : vector<1x1024xf32>
      %jit3A_173 = arith.constant 0xFF800000 : f32
      %broadcast_in_dim3A_174 = vector.broadcast %jit3A_173 : f32 to vector<1x1024xf32>
      %select_n3A_175 = arith.select %eq3A_172, %slice3A_72, %broadcast_in_dim3A_174 : vector<1x1024xi1>, vector<1x1024xf32>
      %reduce_max3A_176 = vector.shape_cast %select_n3A_175 : vector<1x1024xf32> to vector<1x1x1024xf32>
      %reduce_max3A_177 = arith.constant dense<0xFF800000> : vector<1xf32>
      %reduce_max3A_178 = vector.multi_reduction <maximumf>, %reduce_max3A_176, %reduce_max3A_177 [1, 2] : vector<1x1x1024xf32> to vector<1xf32>
      %reduce_max3A_179 = vector.shape_cast %reduce_max3A_178 : vector<1xf32> to vector<1x1x1xf32>
      %reduce_max3A_180 = vector.extract %reduce_max3A_179[0, 0, 0] : f32 from vector<1x1x1xf32>
      %eq3A_181 = vector.broadcast %reduce_max3A_180 : f32 to vector<1x1024xf32>
      %eq3A_182 = arith.cmpf oeq, %slice3A_72, %eq3A_181 : vector<1x1024xf32>
      %and3A_183 = arith.andi %eq3A_172, %eq3A_182 : vector<1x1024xi1>
      %jit3A_184 = arith.constant 1024 : i32
      %broadcast_in_dim3A_185 = vector.broadcast %jit3A_184 : i32 to vector<1x1024xi32>
      %select_n3A_186 = arith.select %and3A_183, %iota3A_123, %broadcast_in_dim3A_185 : vector<1x1024xi1>, vector<1x1024xi32>
      %reduce_min3A = vector.shape_cast %select_n3A_186 : vector<1x1024xi32> to vector<1x1x1024xi32>
      %reduce_min3A_187 = arith.constant dense<2147483647> : vector<1xi32>
      %reduce_min3A_188 = vector.multi_reduction <minsi>, %reduce_min3A, %reduce_min3A_187 [1, 2] : vector<1x1x1024xi32> to vector<1xi32>
      %reduce_min3A_189 = vector.shape_cast %reduce_min3A_188 : vector<1xi32> to vector<1x1x1xi32>
      %reduce_min3A_190 = vector.extract %reduce_min3A_189[0, 0, 0] : i32 from vector<1x1x1xi32>
      %get3A_191 = arith.index_cast %reduce_min3A_190 : i32 to index
      %get3A_192 = arith.constant 0 : index
      %get3A_193 = vector.load %arg7[%get3A_191, %get3A_192] : memref<1024x8xf32, #tpu.memory_space<vmem>>, vector<1x8xf32>
      %eq3A_194 = arith.constant 5 : i32
      %eq3A_195 = vector.broadcast %eq3A_194 : i32 to vector<1x8xi32>
      %eq3A_196 = arith.cmpi eq, %iota3A_158, %eq3A_195 : vector<1x8xi32>
      %convert_element_type3A_197 = arith.extui %eq3A_196 : vector<1x8xi1> to vector<1x8xi32>
      %convert_element_type3A_198 = arith.sitofp %convert_element_type3A_197 : vector<1x8xi32> to vector<1x8xf32>
      %mul3A_199 = arith.mulf %get3A_193, %convert_element_type3A_198 : vector<1x8xf32>
      %reduce_sum3A = vector.shape_cast %mul3A_199 : vector<1x8xf32> to vector<1x1x8xf32>
      %reduce_sum3A_200 = arith.constant dense<0.000000e+00> : vector<1xf32>
      %reduce_sum3A_201 = vector.multi_reduction <add>, %reduce_sum3A, %reduce_sum3A_200 [1, 2] : vector<1x1x8xf32> to vector<1xf32>
      %reduce_sum3A_202 = vector.shape_cast %reduce_sum3A_201 : vector<1xf32> to vector<1x1x1xf32>
      %reduce_sum3A_203 = vector.extract %reduce_sum3A_202[0, 0, 0] : f32 from vector<1x1x1xf32>
      %lt3A = arith.constant 5 : i32
      %lt3A_204 = vector.broadcast %lt3A : i32 to vector<1x8xi32>
      %lt3A_205 = arith.cmpi slt, %iota3A_158, %lt3A_204 : vector<1x8xi32>
      %jit3A_206 = arith.constant 0.000000e+00 : f32
      %broadcast_in_dim3A_207 = vector.broadcast %jit3A_206 : f32 to vector<1x8xf32>
      %select_n3A_208 = arith.select %lt3A_205, %get3A_193, %broadcast_in_dim3A_207 : vector<1x8xi1>, vector<1x8xf32>
      %eq3A_209 = arith.constant 5 : i32
      %eq3A_210 = vector.broadcast %eq3A_209 : i32 to vector<1x8xi32>
      %eq3A_211 = arith.cmpi eq, %iota3A_158, %eq3A_210 : vector<1x8xi32>
      %jit3A_212 = arith.constant 0.000000e+00 : f32
      %broadcast_in_dim3A_213 = vector.broadcast %reduce_max3A_170 : f32 to vector<1x8xf32>
      %broadcast_in_dim3A_214 = vector.broadcast %jit3A_212 : f32 to vector<1x8xf32>
      %select_n3A_215 = arith.select %eq3A_211, %broadcast_in_dim3A_213, %broadcast_in_dim3A_214 : vector<1x8xi1>, vector<1x8xf32>
      %add3A_216 = arith.addf %select_n3A_208, %select_n3A_215 : vector<1x8xf32>
      %eq3A_217 = arith.constant 6 : i32
      %eq3A_218 = vector.broadcast %eq3A_217 : i32 to vector<1x8xi32>
      %eq3A_219 = arith.cmpi eq, %iota3A_158, %eq3A_218 : vector<1x8xi32>
      %jit3A_220 = arith.constant 0.000000e+00 : f32
      %broadcast_in_dim3A_221 = vector.broadcast %reduce_sum3A_203 : f32 to vector<1x8xf32>
      %broadcast_in_dim3A_222 = vector.broadcast %jit3A_220 : f32 to vector<1x8xf32>
      %select_n3A_223 = arith.select %eq3A_219, %broadcast_in_dim3A_221, %broadcast_in_dim3A_222 : vector<1x8xi1>, vector<1x8xf32>
      %add3A_224 = arith.addf %add3A_216, %select_n3A_223 : vector<1x8xf32>
      %ge3A_225 = arith.constant 0.000000e+00 : f32
      %ge3A_226 = arith.cmpf oge, %reduce_max3A_170, %ge3A_225 : f32
      %broadcast_in_dim3A_227 = arith.constant 0.000000e+00 : f32
      %broadcast_in_dim3A_228 = vector.broadcast %broadcast_in_dim3A_227 : f32 to vector<1x8xf32>
      %select_n3A_229 = arith.select %ge3A_226, %add3A_224, %broadcast_in_dim3A_228 : vector<1x8xf32>
      %swap3A_230 = arith.constant 0 : index
      %swap3A_231 = arith.index_cast %scan3A_165 : i32 to index
      %swap3A_232 = arith.constant 0 : index
      %swap3A_233 = vector.load %arg5[%swap3A_230, %swap3A_231, %swap3A_232] : memref<1x104x8xf32, #tpu.memory_space<vmem>>, vector<1x1x8xf32>
      %swap3A_234 = vector.shape_cast %swap3A_233 : vector<1x1x8xf32> to vector<1x8xf32>
      %swap3A_235 = vector.shape_cast %select_n3A_229 : vector<1x8xf32> to vector<1x1x8xf32>
      tpu.vector_store %arg5[%swap3A_230, %swap3A_231, %swap3A_232], %swap3A_235 {strides = array<i32>} : memref<1x104x8xf32, #tpu.memory_space<vmem>>, vector<1x1x8xf32>,
      %eq3A_236 = vector.broadcast %reduce_min3A_190 : i32 to vector<1x1024xi32>
      %eq3A_237 = arith.cmpi eq, %iota3A_123, %eq3A_236 : vector<1x1024xi32>
      %jit3A_238 = arith.constant -2.000000e+00 : f32
      %broadcast_in_dim3A_239 = vector.broadcast %jit3A_238 : f32 to vector<1x1024xf32>
      %select_n3A_240 = arith.select %eq3A_237, %broadcast_in_dim3A_239, %scan3A_166 : vector<1x1024xi1>, vector<1x1024xf32>
      scf.yield %select_n3A_240 : vector<1x1024xf32>
    }
    %scan3A_164 = arith.constant 100 : i32
    return
  }
  func.func @transform_0(%arg0: i32) -> (i32, i32, i32) {
    %c0_i32 = arith.constant 0 : i32
    %c0_i32_0 = arith.constant 0 : i32
    %c0_i32_1 = arith.constant 0 : i32
    return %arg0, %c0_i32, %c0_i32_0 : i32, i32, i32
  }
  func.func @transform_1(%arg0: i32) -> (i32, i32, i32) {
    %c0_i32 = arith.constant 0 : i32
    %c0_i32_0 = arith.constant 0 : i32
    %c0_i32_1 = arith.constant 0 : i32
    return %arg0, %c0_i32, %c0_i32_0 : i32, i32, i32
  }
  func.func @transform_2(%arg0: i32) -> (i32, i32, i32) {
    %c0_i32 = arith.constant 0 : i32
    %c0_i32_0 = arith.constant 0 : i32
    %c0_i32_1 = arith.constant 0 : i32
    return %arg0, %c0_i32, %c0_i32_0 : i32, i32, i32
  }
  func.func @transform_3(%arg0: i32) -> (i32, i32, i32) {
    %c0_i32 = arith.constant 0 : i32
    %c0_i32_0 = arith.constant 0 : i32
    %c0_i32_1 = arith.constant 0 : i32
    return %arg0, %c0_i32, %c0_i32_0 : i32, i32, i32
  }
  func.func @transform_4(%arg0: i32) -> (i32, i32, i32) {
    %c0_i32 = arith.constant 0 : i32
    %c0_i32_0 = arith.constant 0 : i32
    %c0_i32_1 = arith.constant 0 : i32
    return %arg0, %c0_i32, %c0_i32_0 : i32, i32, i32
  }
}

</mosaic_0001>

<sc_bundles>
// kernel: kernel.5.cloned.1.call-start
scs
__scs_entry_jumppad:
0x0: {  	(pc) =	sbr.rel $0x88, $3  }
0x1: {  	(tag) =	ssettag $0x0;
	lr =	simm.s32 $0x1  }
0x2: {  	[smem:$0x3F9C] =	sst lr;
	_ =	strace $0xD0000000  }
0x3: {  	_ = 	snop  }
0x4: {  	_ = 	snop  }
0x5: {  	_ = 	snop  }
0x6: {  	_ = 	snop  }
0x7: {  	_ = 	snop  }
__scs_overlays_trampoline_lowered:
0x8: {  	[smem:$0x3FAB] =	sst s0  }
0x9: {  	[smem:$0x3FAC] =	sst s1  }
0xa: {  	[smem:$0x3FAD] =	sst s2  }
0xb: {  	[smem:$0x3FAE] =	sst s3  }
0xc: {  	[smem:$0x3FAF] =	sst s4  }
0xd: {  	[smem:$0x3FB0] =	sst s5  }
0xe: {  	[smem:$0x3FB1] =	sst s6  }
0xf: {  	[smem:$0x3FB2] =	sst s7  }
0x10: {  	[smem:$0x3FB3] =	sst s8  }
0x11: {  	[smem:$0x3FB4] =	sst s9;
	s0 =	simm.s32 @!p0 $0x0  }
0x12: {  	s1 =	sld [smem:$0x3F9A];
	s0 =	simm.s32 @p0 $0x1  }
0x13: {  	[smem:$0x3FB5] =	sst s0;
	s0 =	simm.s32 @!p1 $0x0  }
0x14: {  	s2 =	sld [smem:$0x3F99];
	s0 =	simm.s32 @p1 $0x1  }
0x15: {  	[smem:$0x3FB6] =	sst s0;
	s0 =	simm.s32 @!p2 $0x0  }
0x16: {  	s3 =	sld [smem:$0x3FDB];
	s0 =	simm.s32 @p2 $0x1  }
0x17: {  	s4 =	simm.s32 $0x1BF5;
	[smem:$0x3FB8] =	sst s0  }
0x18: {  	s0 =	sld [smem:$0x3F9B];
	_ =	swait.ge [sflag:s4], $0x0  }
0x19: {  	s7 =	sld [smem:$0x3F9C]  }
0x1a: {  	s8 =	sadd.s32 $0xFFFFE003, lr  }
0x1b: {  	s9 =	sadd.s32 $0xFFFFFEF7, lr;
	s5 =	simm.s32 $0xFFFFFFFF;
	p2 =	slt.u32 s8, $0xFFFFF086  }
0x1c: {  	p1 =	slt.u32 s9, $0xF7A;
	s5 =	simm.s32 @!p2 $0x0  }
0x1d: {  	s5 =	simm.s32 @p1 $0x1;
	p0 =	seq.s32 s7, s2  }
0x1e: {  	s7 =	smul.u32 @!p0 $0xF7A, s2;
	p2 =	seq.s32 @!p0 s5, $0x0  }
0x1f: {  	s9 =	smul.u32 $0xF7A, s1;
	s8 =	simm.s32 @!p0 $0x1BF5;
	p2 =	por !p2, p0  }
0x20: {  	[sflag:s8] =	ssyncset.s32 @!p0 $0xFFFFF086;
	s6 =	sadd.s32 @!p0 s3, s7;
	s7 =	simm.s32 @!p0 $0x108  }
0x21: {  	s3 =	sadd.s32 s3, s9;
	s6 =	sadd.s32 @!p0 $0x88, s6;
	s7 =	simm.s32 @p2 $0x1082  }
0x22: {  	[simem:s7], [sflag:s8] =	dma.local @!p0 [hbm:s6], $0xF7A  }
0x23: {  	s9 =	sor.u32 $0xD0000000, s2;
	s6 =	simm.s32 $0x108;
	_ =	swait.ge @!p0 [sflag:s8], $0x0  }
0x24: {  	s3 =	sadd.s32 $0x88, s3;
	s6 =	simm.s32 @!p1 $0x1082;
	[sflag:s4] =	ssyncset.s32 $0xFFFFF086  }
0x25: {  	[simem:s6], [sflag:s4] =	dma.local [hbm:s3], $0xF7A  }
0x26: {  	[smem:$0x3F9C] =	sst s1;
	(tag) =	ssettag s2;
	_ =	strace s9  }
0x27: {  	s1 =	sld [smem:$0x3FAC]  }
0x28: {  	s2 =	sld [smem:$0x3FAD]  }
0x29: {  	s4 =	sld [smem:$0x3FAF]  }
0x2a: {  	p0 =	seq.s32 s5, $0x0;
	s5 =	sld [smem:$0x3FB0]  }
0x2b: {  	s6 =	sld [smem:$0x3FB1]  }
0x2c: {  	s7 =	sld [smem:$0x3FB2]  }
0x2d: {  	s3 =	simm.s32 $0x108;
	s8 =	sld [smem:$0x3FB3]  }
0x2e: {  	s3 =	simm.s32 @!p0 $0x1082;
	s9 =	sld [smem:$0x3FB4]  }
0x2f: {  	lr =	sadd.s32 s0, s3;
	s0 =	sld [smem:$0x3FAB]  }
0x30: {  	s3 =	sld [smem:$0x3FAE]  }
0x31: {  	[smem:$0x3FB7] =	sst s10  }
0x32: {  	s10 =	sld [smem:$0x3FB5];
	_ =	sdelay $0x3  }
0x33: {  	p0 =	seq.s32 s10, $0x1;
	s10 =	sld [smem:$0x3FB7];
	_ =	sdelay $0x3  }
0x34: {  	[smem:$0x3FB7] =	sst s10  }
0x35: {  	s10 =	sld [smem:$0x3FB6];
	_ =	sdelay $0x3  }
0x36: {  	p1 =	seq.s32 s10, $0x1;
	s10 =	sld [smem:$0x3FB7];
	_ =	sdelay $0x3  }
0x37: {  	[smem:$0x3FB7] =	sst s10  }
0x38: {  	s10 =	sld [smem:$0x3FB8]  }
0x39: {  	_ = 	snop;
	(pc) =	sbr.ind lr, $3  }
0x3a: {  	_ = 	snop  }
0x3b: {  	_ = 	snop  }
0x3c: {  	p2 =	seq.s32 s10, $0x1;
	s10 =	sld [smem:$0x3FB7]  }
0x3d: {  	_ =	shalt  }
0x3e: {  	_ =	shalt  }
0x3f: {  	_ =	shalt  }
0x40: {  	_ =	shalt  }
0x41: {  	_ =	shalt  }
0x42: {  	_ =	shalt  }
0x43: {  	_ =	shalt  }
0x44: {  	_ =	shalt  }
0x45: {  	_ =	shalt  }
0x46: {  	_ =	shalt  }
0x47: {  	_ =	shalt  }
0x48: {  	_ =	shalt  }
0x49: {  	_ =	shalt  }
0x4a: {  	_ =	shalt  }
0x4b: {  	_ =	shalt  }
0x4c: {  	_ =	shalt  }
0x4d: {  	_ =	shalt  }
0x4e: {  	_ =	shalt  }
0x4f: {  	_ =	shalt  }
0x50: {  	_ =	shalt  }
0x51: {  	_ =	shalt  }
0x52: {  	_ =	shalt  }
0x53: {  	_ =	shalt  }
0x54: {  	_ =	shalt  }
0x55: {  	_ =	shalt  }
0x56: {  	_ =	shalt  }
0x57: {  	_ =	shalt  }
0x58: {  	_ =	shalt  }
0x59: {  	_ =	shalt  }
0x5a: {  	_ =	shalt  }
0x5b: {  	_ =	shalt  }
0x5c: {  	_ =	shalt  }
0x5d: {  	_ =	shalt  }
0x5e: {  	_ =	shalt  }
0x5f: {  	_ =	shalt  }
0x60: {  	_ =	shalt  }
0x61: {  	_ =	shalt  }
0x62: {  	_ =	shalt  }
0x63: {  	_ =	shalt  }
0x64: {  	_ =	shalt  }
0x65: {  	_ =	shalt  }
0x66: {  	_ =	shalt  }
0x67: {  	_ =	shalt  }
0x68: {  	_ =	shalt  }
0x69: {  	_ =	shalt  }
0x6a: {  	_ =	shalt  }
0x6b: {  	_ =	shalt  }
0x6c: {  	_ =	shalt  }
0x6d: {  	_ =	shalt  }
0x6e: {  	_ =	shalt  }
0x6f: {  	_ =	shalt  }
0x70: {  	_ =	shalt  }
0x71: {  	_ =	shalt  }
0x72: {  	_ =	shalt  }
0x73: {  	_ =	shalt  }
0x74: {  	_ =	shalt  }
0x75: {  	_ =	shalt  }
0x76: {  	_ =	shalt  }
0x77: {  	_ =	shalt  }
0x78: {  	_ =	shalt  }
0x79: {  	_ =	shalt  }
0x7a: {  	_ =	shalt  }
0x7b: {  	_ =	shalt  }
0x7c: {  	_ =	shalt  }
0x7d: {  	_ =	shalt  }
0x7e: {  	_ =	shalt  }
0x7f: {  	_ =	shalt  }
0x80: {  	_ =	shalt  }
0x81: {  	_ =	shalt  }
0x82: {  	_ =	shalt  }
0x83: {  	_ =	shalt  }
0x84: {  	_ =	shalt  }
0x85: {  	_ =	shalt  }
0x86: {  	_ =	shalt  }
0x87: {  	_ =	shalt  }
.Lfunc_end0:
.L_simem_size_0:
called_computation_lowered:
.L_overlay_start_0:
0x88: {  	s2 =	sld [smem:$0x3FD9]  }
0x89: {  	s3 =	sld [smem:$0x3FFE];
	_ =	sdelay $0x1  }
0x8a: {  	s1 =	srdreg.scid  }
0x8b: {  	s0 =	sand.u32 $0x1, s1  }
0x8c: {  	s16 =	sshll.u32 s0, $0xA;
	s2 =	sadd.s32 s3, s2  }
0x8d: {  	s2 =	sadd.s32 s2, s16  }
0x8e: {  	[smem:$0x3FC3] =	sst s2  }
0x8f: {  	_ = 	snop  }
0x90: {  	(tm) =	ssettm $0x1  }
0x91: {  	s17 =	sld [smem:$0x3FFB];
	_ =	sdelay $0x3  }
0x92: {  	_ =	strace s17  }
0x93: {  	s2 =	sld [smem:$0x3FFC];
	_ =	sdelay $0x3  }
0x94: {  	_ =	strace s2  }
0x95: {  	s2 =	sld [smem:$0x3FFD];
	_ =	sdelay $0x3  }
0x96: {  	_ =	strace s2  }
0x97: {  	_ =	strace $0x8FFFFFFF  }
0x98: {  	s18 =	sld [smem:$0x3FDB];
	_ =	sdelay $0x1  }
0x99: {  	s19 =	simm.s32 $_scs_section_size  }
0x9a: {  	s4 =	simm.s32 $_size__tile_overlayer_lowered;
	s5 =	simm.s32 $_tile_overlayer_lowered  }
0x9b: {  	s22 =	simm.s32 $0x1BFF;
	s21 =	sshll.u32 s5, $0x1;
	s2 =	sadd.s32 s19, s18  }
0x9c: {  	s6 =	simm.s32 $0x0;
	s20 =	sshll.u32 s4, $0x1;
	s4 =	sadd.s32 s21, s2  }
0x9d: {  	[timem:s6], [sflag:s22] =	dma.local [hbm:s4], s20  }
0x9e: {  	_ =	swait.ge [sflag:s22], s20  }
0x9f: {  	s3 =	ssub.s32 $0x0, s20;
	[sflag:s22] =	ssyncset.done $0x0  }
0xa0: {  	[sflag:s22] =	ssyncadd.s32 s3;
	_ =	sdelay $0x1  }
0xa1: {  	s23 =	simm.s32 $0x1B8B  }
0xa2: {  	_ =	swait.ge [sflag:s23], $0x1  }
0xa3: {  	[sflag:s23] =	ssyncset.done $0x0  }
0xa4: {  	s25 =	simm.s32 $0x1B8E;
	s24 =	sld [smem:$0x3FFE];
	[sflag:s23] =	ssyncadd.s32 $0xFFFFFFFF  }
0xa5: {  	s26 =	simm.s32 $execute0_lowered;
	[smem:$0x3FD2] =	sst s25  }
0xa6: {  	s4 =	sshll.u32 s26, $0x1;
	_ =	strace $0x80000046;
	[dreg:$0x1] =	wrdreg $0xFFFFFFFF  }
0xa7: {  	s28 =	simm.s32 $_size_execute0_lowered;
	s2 =	sadd.s32 s2, s4;
	[dreg:$0x0] =	wrdreg $0x0  }
0xa8: {  	s4 =	sshll.u32 s28, $0x1;
	[dreg:$0x2] =	wrdreg s2  }
0xa9: {  	[dreg:$0x3] =	wrdreg s4  }
0xaa: {  	[dreg:$0x4] =	wrdreg $0xC0  }
0xab: {  	_ =	task [dreg:s6], $0x5FFFF  }
0xac: {  	[dreg:$0x1] =	wrdreg $0xFFFFFFFF  }
0xad: {  	[dreg:$0x0] =	wrdreg $0x60  }
0xae: {  	[dreg:$0x2] =	wrdreg s24  }
0xaf: {  	[dreg:$0x3] =	wrdreg $0x9  }
0xb0: {  	_ =	task.clear_ibuf [dreg:s6], $0x4FFFF;
	_ =	strace $0x90000046  }
0xb1: {  	s29 =	simm.s32 $0x9;
	_ =	strace $0x80000048  }
0xb2: {  	_ =	swait.ge [sflag:s29], $0x1  }
0xb3: {  	[sflag:s29] =	ssyncadd.s32 $0xFFFFFFFF  }
0xb4: {  	_ =	strace $0x90000048  }
0xb5: {  	_ =	sfence  }
0xb6: {  	s30 =	sld [smem:$0x0];
	_ =	sdelay $0x2  }
0xb7: {  	s31 =	sshll.u32 s1, $0xD;
	s1 =	sshrl.u32 s1, $0x2  }
0xb8: {  	s3 =	sand.u32 $0x4000, s31;
	s1 =	sadd.s32 s1, s30  }
0xb9: {  	s0 =	sor.u32 s3, s0;
	s1 =	sshll.u32 s1, $0x11  }
0xba: {  	s0 =	sor.u32 s1, s0  }
0xbb: {  	s0 =	sadd.s32 $0x8F2B, s0  }
0xbc: {  	[sflag:s0] =	ssyncadd.remote.s32 $0x1  }
0xbd: {  	_ =	sfence.sel $0xFFFF  }
0xbe: {  	[dreg:$0x0] =	wrdreg $0xFFFFFFFF;
	(pc) =	sbr.abs _section_cstart, $3  }
0xbf: {  	[dreg:$0x1] =	wrdreg $0xFFFFFFFF  }
0xc0: {  	_ =	task.clear_ibuf [dreg:s6], $0x2FFFF;
	_ =	strace $0x9FFFFFFF  }
0xc1: {  	(tm) =	ssettm $0x7FFFFFFF  }
tec
execute0_lowered:
.L_overlay_start_1:
0x0: {  	(tag) =	ssettag $0x1  }
0x1: {  	s1 =	srdreg.scid;
	s0 =	stileid.u32  }
0x2: {  	s13 =	sand.u32 $0x1, s1;
	s30 =	sshll.u32 s0, $0x1  }
0x3: {  	s15 =	rddreg [dreg:$0x0];
	s14 =	sor.u32 s13, s30  }
0x4: {  	s2 =	simm.s32 $0x0;
	s1 =	rddreg [dreg:$0x1];
	s3 =	sshll.u32 s14, $0x6  }
0x5: {  	[smem:$0x7FF] =	sst s2;
	s3 =	sadd.s32 s3, s15  }
0x6: {  	_ =	strace $0x80000047;
	s4 =	sadd.s32 $0x50000, s3;
	s3 =	simm.s32 $0x2  }
0x7: {  	[tilespmem:s2], [sflag:$0x2] =	stream.linear.gather [hbm4b:s4+s2], $0x200, $0x38;
	[tilespmem:$0xA200] =	vst v63  }
0x8: {  	_ =	swait.ge [sflag:s3], $0x200  }
0x9: {  	s6 =	simm.s32 $0x50;
	s7 =	simm.s32 $0x200;
	[sflag:s3] =	ssyncset.done $0x0  }
0xa: {  	s8 =	simm.s32 $0x1;
	s5 =	sadd.s32 $0x50800, s15;
	[sflag:s3] =	ssyncadd.s32 $0xFFFFFE00  }
0xb: {  	[tilespmem:s7], [sflag:$0x1] =	stream.indirect.gather [hbm4b:s5+s6], $0x80, s2, s6, $0xb8;
	[tilespmem:$0xA200] =	vst v63  }
0xc: {  	_ =	swait.ge [sflag:s8], $0x2800  }
0xd: {  	[sflag:s8] =	ssyncset.done $0x0  }
0xe: {  	s9 =	simm.s32 $0x80;
	s10 =	simm.s32 $0x2A00;
	[sflag:s8] =	ssyncadd.s32 $0xFFFFD800  }
0xf: {  	[tilespmem:s10], [sflag:$0x1] =	stream.indirect.gather [hbm4b:s5+s6], $0x80, s9, s6, $0xb8;
	[tilespmem:$0xA200] =	vst v63  }
0x10: {  	_ =	swait.ge [sflag:s8], $0x2800  }
0x11: {  	s11 =	simm.s32 $0x100;
	s12 =	simm.s32 $0x5200;
	[sflag:s8] =	ssyncset.done $0x0  }
0x12: {  	s17 =	ssub.s32 $0x2, s13;
	s13 =	simm.s32 $0x180;
	[sflag:s8] =	ssyncadd.s32 $0xFFFFD800  }
0x13: {  	[tilespmem:s12], [sflag:$0x1] =	stream.indirect.gather [hbm4b:s5+s6], $0x80, s11, s6, $0xb8;
	[tilespmem:$0xA200] =	vst v63  }
0x14: {  	s16 =	smul.u32 $0x1400, s14;
	s18 =	sshrl.u32 s17, $0x1;
	_ =	swait.ge [sflag:s8], $0x2800  }
0x15: {  	s14 =	simm.s32 $0x7A00;
	s31 =	ssub.s32 s17, s18;
	[sflag:s8] =	ssyncset.done $0x0  }
0x16: {  	s15 =	sadd.s32 s16, s15;
	s16 =	smax.u32 s31, $0x1;
	[sflag:s8] =	ssyncadd.s32 $0xFFFFD800  }
0x17: {  	[tilespmem:s14], [sflag:$0x1] =	stream.indirect.gather [hbm4b:s5+s6], $0x80, s13, s6, $0xb8;
	[tilespmem:$0xA200] =	vst v63  }
0x18: {  	p0 =	sne.s32 s16, $0x1;
	_ =	swait.ge [sflag:s8], $0x2800  }
.Ltmp0:
0x19: {  	[sflag:s8] =	ssyncset.done $0x0;
	(pc) =	sbr.rel @!p0 .LBB2_2-.Ltmp0, $4  }
0x1a: {  	s15 =	sadd.s32 $0x55800, s15;
	[sflag:s8] =	ssyncadd.s32 $0xFFFFD800  }
0x1b: {  	[hbm4b:s15+s2] =	stream.linear.scatter [tilespmem:s7], [sflag:$0x2], $0xA000, $0x38;
	[tilespmem:$0xA200] =	vst v63  }
0x1c: {  	_ =	swait.ge [sflag:s3], $0xA000  }
0x1d: {  	s16 =	sadd.s32 $0xFFFFFFFF, s16;
	[sflag:s3] =	ssyncset.done $0x0  }
.LBB2_1:
0x1e: {  	p0 =	sne.s32 s16, $0x1;
	s16 =	sadd.s32 $0xFFFFFFFF, s16;
	[sflag:s3] =	ssyncadd.s32 $0xFFFF6000  }
0x1f: {  	[tilespmem:s2], [sflag:$0x2] =	stream.linear.gather [hbm4b:s4+s2], $0x200, $0x38;
	[tilespmem:$0xA200] =	vst v63  }
0x20: {  	_ =	swait.ge [sflag:s3], $0x200  }
0x21: {  	[sflag:s3] =	ssyncset.done $0x0  }
0x22: {  	[sflag:s3] =	ssyncadd.s32 $0xFFFFFE00  }
0x23: {  	[tilespmem:s7], [sflag:$0x1] =	stream.indirect.gather [hbm4b:s5+s6], $0x80, s2, s6, $0xb8;
	[tilespmem:$0xA200] =	vst v63  }
0x24: {  	_ =	swait.ge [sflag:s8], $0x2800  }
0x25: {  	[sflag:s8] =	ssyncset.done $0x0  }
0x26: {  	[sflag:s8] =	ssyncadd.s32 $0xFFFFD800  }
0x27: {  	[tilespmem:s10], [sflag:$0x1] =	stream.indirect.gather [hbm4b:s5+s6], $0x80, s9, s6, $0xb8;
	[tilespmem:$0xA200] =	vst v63  }
0x28: {  	_ =	swait.ge [sflag:s8], $0x2800  }
0x29: {  	[sflag:s8] =	ssyncset.done $0x0  }
0x2a: {  	[sflag:s8] =	ssyncadd.s32 $0xFFFFD800  }
0x2b: {  	[tilespmem:s12], [sflag:$0x1] =	stream.indirect.gather [hbm4b:s5+s6], $0x80, s11, s6, $0xb8;
	[tilespmem:$0xA200] =	vst v63  }
0x2c: {  	_ =	swait.ge [sflag:s8], $0x2800  }
0x2d: {  	[sflag:s8] =	ssyncset.done $0x0  }
0x2e: {  	[sflag:s8] =	ssyncadd.s32 $0xFFFFD800  }
0x2f: {  	[tilespmem:s14], [sflag:$0x1] =	stream.indirect.gather [hbm4b:s5+s6], $0x80, s13, s6, $0xb8;
	[tilespmem:$0xA200] =	vst v63  }
0x30: {  	_ =	swait.ge [sflag:s8], $0x2800  }
.Ltmp1:
0x31: {  	[sflag:s8] =	ssyncset.done $0x0;
	(pc) =	sbr.rel @p0 .LBB2_1-.Ltmp1, $4  }
0x32: {  	[sflag:s8] =	ssyncadd.s32 $0xFFFFD800  }
0x33: {  	[hbm4b:s15+s2] =	stream.linear.scatter [tilespmem:s7], [sflag:$0x2], $0xA000, $0x38;
	[tilespmem:$0xA200] =	vst v63  }
0x34: {  	_ =	swait.ge [sflag:s3], $0xA000  }
0x35: {  	[sflag:s3] =	ssyncset.done $0x0  }
.LBB2_2:
0x36: {  	[sflag:s3] =	ssyncadd.s32 $0xFFFF6000  }
0x37: {  	_ =	sfence.sel $0x180000  }
0x38: {  	[bflag:$0x0] =	sbarrier.arrive $0xFFFF  }
0x39: {  	p0 =	sne.s32 s0, $0x0;
	_ =	strace $0x90000047  }
0x3a: {  	s0 =	sadd.s32 @!p0 $0x100000, s1;
	[bflag:$0x2] =	sbarrier.arrive $0xFFFF  }
0x3b: {  	[sflag:s0] =	ssyncadd.tile.s32 @!p0 $0x1;
	_ =	shalt  }
.Lfunc_end2:
_tile_overlayer_lowered:
.L_overlay_start_2:
0x3c: {  	(tag) =	ssettag $0x2  }
0x3d: {  	s0 =	rddreg [dreg:$0x0];
	s2 =	stileid.u32  }
0x3e: {  	s1 =	rddreg [dreg:$0x1];
	p0 =	sne.s32 s2, $0x0  }
0x3f: {  	s3 =	rddreg [dreg:$0x2];
	[bflag:$0x3] =	sbarrier.arrive $0xFFFF;
	s2 =	simm.s32 @!p0 $0x1C02  }
0x40: {  	[timem:s3], [sflag:s2] =	dma.local @!p0 [hbm:s0], s1  }
0x41: {  	s0 =	simm.s32 @!p0 $0x2  }
0x42: {  	_ =	swait.ge @!p0 [sflag:s0], s1  }
0x43: {  	s1 =	ssub.s32 @!p0 $0x0, s1;
	[sflag:s0] =	ssyncset.done @!p0 $0x0  }
0x44: {  	[sflag:s0] =	ssyncadd.s32 @!p0 s1  }
0x45: {  	[bflag:$0x3] =	sbarrier.arrive $0xFFFF  }
0x46: {  	_ =	shalt  }

</sc_bundles>
